<compile_context>
chip_gen: v7x
topology: tpu7x:2x2x1
jax: 0.10.2.dev20260603
libtpu: 0.0.44.dev20260713+nightly
codegen_flags: <defaults>
</compile_context>

<pallas_src>
import functools
import jax
import jax.numpy as jnp
from jax import lax
from jax.experimental import pallas as pl
from jax.experimental.pallas import tpu as pltpu
from jax.experimental.pallas import tpu_sc as plsc

SHIFT = 8192
CHUNK = 2048
NW = 32


def _wav_body(stem_ref, wav_ref):
    wav_ref[...] = stem_ref[...]


def _make_sel_kernel(B, S, C, T, length):
    kl = length // CHUNK
    n_pairs = C * kl
    per_w = -(-n_pairs // NW)
    mesh = plsc.VectorSubcoreMesh(core_axis_name="c", subcore_axis_name="s")

    @functools.partial(
        pl.kernel,
        mesh=mesh,
        out_type=jax.ShapeDtypeStruct((B, C, length), jnp.float32),
        scratch_types=[
            pltpu.VMEM((S * 16,), jnp.float32),
            pltpu.VMEM((16, CHUNK), jnp.float32),
            pltpu.VMEM((16, CHUNK), jnp.float32),
            pltpu.SemaphoreType.DMA,
            pltpu.SemaphoreType.DMA,
        ],
    )
    def sel_kernel(oh_hbm, stem_hbm, sel_hbm, oh_v, buf0, buf1, sem_in, sem_out):
        wid = lax.axis_index("s") * 2 + lax.axis_index("c")
        stem2 = stem_hbm.reshape(B * S * C, T)
        sel2 = sel_hbm.reshape(B * C, length)

        pltpu.sync_copy(oh_hbm, oh_v)
        lanes = lax.iota(jnp.int32, 16)
        best = oh_v[pl.ds(0, 16)]
        idx_vec = jnp.zeros((16,), jnp.int32)
        for s in range(1, S):
            v = oh_v[pl.ds(s * 16, 16)]
            gt = v > best
            idx_vec = jnp.where(gt, jnp.int32(s), idx_vec)
            best = jnp.where(gt, v, best)

        grow = lanes * (S * C) + idx_vec * C
        srow = lanes * C

        bufs = (buf0, buf1)
        pairs = []
        for j in range(per_w):
            p = wid + j * NW
            p = jnp.minimum(p, n_pairs - 1)
            pairs.append((p % C, p // C))

        for j, (c, k) in enumerate(pairs):
            buf = bufs[j % 2]
            if j >= 2:
                cp, kp = pairs[j - 2]
                pltpu.make_async_copy(
                    buf, sel2.at[srow + cp, pl.ds(kp * CHUNK, CHUNK)], sem_out
                ).wait()
            pltpu.async_copy(
                stem2.at[grow + c, pl.ds(k * CHUNK, CHUNK)], buf, sem_in
            ).wait()
            pltpu.make_async_copy(
                buf, sel2.at[srow + c, pl.ds(k * CHUNK, CHUNK)], sem_out
            ).start()
        for j in (per_w - 2, per_w - 1):
            c, k = pairs[j]
            pltpu.make_async_copy(
                bufs[j % 2], sel2.at[srow + c, pl.ds(k * CHUNK, CHUNK)], sem_out
            ).wait()

    return sel_kernel


def kernel(selected_stem, one_hot_vector, stem_data):
    B, S, C, T = stem_data.shape
    length = T - SHIFT

    sel = _make_sel_kernel(B, S, C, T, length)(
        one_hot_vector.T.reshape(S * B), stem_data
    )

    wav = pl.pallas_call(
        _wav_body,
        grid=(B,),
        in_specs=[pl.BlockSpec((1, S, C, length), lambda b: (b, 0, 0, 0))],
        out_specs=pl.BlockSpec((1, S, C, length), lambda b: (b, 0, 0, 0)),
        out_shape=jax.ShapeDtypeStruct((B, S, C, length), stem_data.dtype),
        compiler_params=pltpu.CompilerParams(
            dimension_semantics=("parallel",),
        ),
    )(stem_data)

    return (sel, one_hot_vector, wav)

# --- scband reference (transcript-rebuilt; emitter-appended) ---
"""Pipeline reference for scband-shift-9448928051441 (READ-ONLY COPY).

The authoritative reference and input builder live on the scoring server;
editing this copy changes nothing except your own understanding.
"""

import jax, jax.numpy as jnp
import numpy as np

SHIFT = 8192

def setup_inputs(seed: int = 0) -> dict:
    key = jax.random.key(seed)
    k1, k2, k3 = jax.random.split(key, 3)
    B, S, C, T = 16, 4, 2, 262144
    selected_stem = jax.random.normal(k1, (B, C, T), dtype=jnp.float32)
    one_hot_vector = jax.random.uniform(k2, (B, S), dtype=jnp.float32)
    stem_data = jax.random.normal(k3, (B, S, C, T), dtype=jnp.float32)
    return {"selected_stem": selected_stem, "one_hot_vector": one_hot_vector, "stem_data": stem_data}

def reference(selected_stem, one_hot_vector, stem_data):
    # _forward: eval-mode (deterministic) path of Shift -- truncate the last `shift` samples.
    # (Training path draws torch random offsets, which is not reproducible across frameworks.)
    length = stem_data.shape[3] - SHIFT
    wav = stem_data[..., :length]
    # stem_indices = one_hot_vector.argmax(-1).view(-1,1,1,1); gather along source dim then squeeze
    stem_indices = jnp.argmax(one_hot_vector, axis=-1).reshape(-1, 1, 1, 1)
    idx = jnp.broadcast_to(stem_indices, (wav.shape[0], 1, wav.shape[2], wav.shape[3]))
    selected = jnp.take_along_axis(wav, idx, axis=1)
    selected = jnp.squeeze(selected, axis=1)
    return (selected, one_hot_vector, wav)

if __name__ == "__main__":
    import jax
    _d = setup_inputs()
    print(jax.jit(kernel)(*tuple(_d.values())))

</pallas_src>

<mosaic_0001>
#map = affine_map<(d0, d1) -> (0)>
#map1 = affine_map<(d0, d1) -> (0, 0, 0, 0)>
#map2 = affine_map<(d0, d1) -> (0, 0, 0)>
module attributes {stable_mosaic.version = 14 : i64} {
  func.func @sel_kernel(%arg0: i32, %arg1: i32, %arg2: memref<64xf32, #tpu.memory_space<hbm>>, %arg3: memref<16x4x2x262144xf32, #tpu.memory_space<hbm>>, %arg4: memref<16x2x253952xf32, #tpu.memory_space<hbm>>, %arg5: memref<64xf32, #tpu.memory_space<vmem>>, %arg6: memref<16x2048xf32, #tpu.memory_space<vmem>>, %arg7: memref<16x2048xf32, #tpu.memory_space<vmem>>, %arg8: memref<!tpu.dma_semaphore, #tpu.memory_space<semaphore_mem>>, %arg9: memref<!tpu.dma_semaphore, #tpu.memory_space<semaphore_mem>>) attributes {dimension_semantics = [#tpu.dimension_semantics<core_parallel>, #tpu.dimension_semantics<subcore_parallel>], iteration_bounds = array<i64: 2, 16>, scalar_prefetch = 0 : i64, scratch_operands = 5 : i64, tpu.core_type = #tpu.core_type<sc_vector_subcore>, window_params = [{transform_indices = #map}, {transform_indices = #map1}, {transform_indices = #map2}]} {
    %mul3A = arith.constant 2 : i32
    %mul3A_0 = arith.muli %arg1, %mul3A : i32
    %add3A = arith.addi %mul3A_0, %arg0 : i32
    "tpu.region"() ({
      %run_scoped3A = tpu.sem_alloc : memref<!tpu.dma_semaphore, #tpu.memory_space<semaphore_mem>>
      tpu.enqueue_dma source(%arg2 : memref<64xf32, #tpu.memory_space<hbm>>) target(%arg5 : memref<64xf32, #tpu.memory_space<vmem>>) target_semaphore(%run_scoped3A : memref<!tpu.dma_semaphore, #tpu.memory_space<semaphore_mem>>)
      tpu.wait_dma2 semaphore(%run_scoped3A : memref<!tpu.dma_semaphore, #tpu.memory_space<semaphore_mem>>) src(%arg2 : memref<64xf32, #tpu.memory_space<hbm>>) dst(%arg5 : memref<64xf32, #tpu.memory_space<vmem>>)
      tpu.yield
    }) : () -> ()
    %iota3A = tpu.iota {dimensions = array<i32: 0>} : vector<16xi32>
    %get3A = arith.constant 0 : index
    %get3A_1 = tpu.vector_load %arg5[%get3A] {strides = array<i32>} : memref<64xf32, #tpu.memory_space<vmem>>, vector<16xf32>,
    %get3A_2 = vector.shape_cast %get3A_1 : vector<16xf32> to vector<16xf32>
    %broadcast_in_dim3A = arith.constant 0 : i32
    %broadcast_in_dim3A_3 = vector.broadcast %broadcast_in_dim3A : i32 to vector<16xi32>
    %get3A_4 = arith.constant 16 : index
    %get3A_5 = tpu.vector_load %arg5[%get3A_4] {strides = array<i32>} : memref<64xf32, #tpu.memory_space<vmem>>, vector<16xf32>,
    %get3A_6 = vector.shape_cast %get3A_5 : vector<16xf32> to vector<16xf32>
    %gt3A = arith.cmpf ogt, %get3A_6, %get3A_2 : vector<16xf32>
    %jit3A = arith.constant 1 : i32
    %broadcast_in_dim3A_7 = vector.broadcast %jit3A : i32 to vector<16xi32>
    %select_n3A = arith.select %gt3A, %broadcast_in_dim3A_7, %broadcast_in_dim3A_3 : vector<16xi1>, vector<16xi32>
    %select_n3A_8 = arith.select %gt3A, %get3A_6, %get3A_2 : vector<16xi1>, vector<16xf32>
    %get3A_9 = arith.constant 32 : index
    %get3A_10 = tpu.vector_load %arg5[%get3A_9] {strides = array<i32>} : memref<64xf32, #tpu.memory_space<vmem>>, vector<16xf32>,
    %get3A_11 = vector.shape_cast %get3A_10 : vector<16xf32> to vector<16xf32>
    %gt3A_12 = arith.cmpf ogt, %get3A_11, %select_n3A_8 : vector<16xf32>
    %jit3A_13 = arith.constant 2 : i32
    %broadcast_in_dim3A_14 = vector.broadcast %jit3A_13 : i32 to vector<16xi32>
    %select_n3A_15 = arith.select %gt3A_12, %broadcast_in_dim3A_14, %select_n3A : vector<16xi1>, vector<16xi32>
    %select_n3A_16 = arith.select %gt3A_12, %get3A_11, %select_n3A_8 : vector<16xi1>, vector<16xf32>
    %get3A_17 = arith.constant 48 : index
    %get3A_18 = tpu.vector_load %arg5[%get3A_17] {strides = array<i32>} : memref<64xf32, #tpu.memory_space<vmem>>, vector<16xf32>,
    %get3A_19 = vector.shape_cast %get3A_18 : vector<16xf32> to vector<16xf32>
    %gt3A_20 = arith.cmpf ogt, %get3A_19, %select_n3A_16 : vector<16xf32>
    %jit3A_21 = arith.constant 3 : i32
    %broadcast_in_dim3A_22 = vector.broadcast %jit3A_21 : i32 to vector<16xi32>
    %select_n3A_23 = arith.select %gt3A_20, %broadcast_in_dim3A_22, %select_n3A_15 : vector<16xi1>, vector<16xi32>
    %select_n3A_24 = arith.select %gt3A_20, %get3A_19, %select_n3A_16 : vector<16xi1>, vector<16xf32>
    %mul3A_25 = arith.constant 8 : i32
    %mul3A_26 = vector.broadcast %mul3A_25 : i32 to vector<16xi32>
    %mul3A_27 = arith.muli %iota3A, %mul3A_26 : vector<16xi32>
    %mul3A_28 = arith.constant 2 : i32
    %mul3A_29 = vector.broadcast %mul3A_28 : i32 to vector<16xi32>
    %mul3A_30 = arith.muli %select_n3A_23, %mul3A_29 : vector<16xi32>
    %add3A_31 = arith.addi %mul3A_27, %mul3A_30 : vector<16xi32>
    %mul3A_32 = arith.constant 2 : i32
    %mul3A_33 = vector.broadcast %mul3A_32 : i32 to vector<16xi32>
    %mul3A_34 = arith.muli %iota3A, %mul3A_33 : vector<16xi32>
    %add3A_35 = arith.constant 0 : i32
    %add3A_36 = arith.addi %add3A, %add3A_35 : i32
    %min3A = arith.constant 247 : i32
    %min3A_37 = arith.minsi %add3A_36, %min3A : i32
    %jit3A_38 = arith.constant 2 : i32
    %eq3A = arith.constant 0 : i32
    %eq3A_39 = arith.cmpi eq, %jit3A_38, %eq3A : i32
    %jit3A_40 = arith.constant 1 : i32
    %select_n3A_41 = arith.select %eq3A_39, %jit3A_40, %jit3A_38 : i32
    %rem3A = arith.remsi %min3A_37, %select_n3A_41 : i32
    %ne3A = arith.constant 0 : i32
    %ne3A_42 = arith.cmpi ne, %rem3A, %ne3A : i32
    %lt3A = arith.constant 0 : i32
    %lt3A_43 = arith.cmpi slt, %rem3A, %lt3A : i32
    %lt3A_44 = arith.constant 0 : i32
    %lt3A_45 = arith.cmpi slt, %select_n3A_41, %lt3A_44 : i32
    %ne3A_46 = arith.xori %lt3A_43, %lt3A_45 : i1
    %and3A = arith.andi %ne3A_46, %ne3A_42 : i1
    %add3A_47 = arith.addi %rem3A, %select_n3A_41 : i32
    %select_n3A_48 = arith.select %and3A, %add3A_47, %rem3A : i32
    %jit3A_49 = arith.constant 2 : i32
    %div3A = arith.divsi %min3A_37, %jit3A_49 : i32
    %sign3A = arith.constant 0 : i32
    %sign3A_50 = arith.cmpi sgt, %min3A_37, %sign3A : i32
    %sign3A_51 = arith.extui %sign3A_50 : i1 to i32
    %sign3A_52 = arith.constant 0 : i32
    %sign3A_53 = arith.cmpi slt, %min3A_37, %sign3A_52 : i32
    %sign3A_54 = arith.extui %sign3A_53 : i1 to i32
    %sign3A_55 = arith.subi %sign3A_51, %sign3A_54 : i32
    %sign3A_56 = arith.constant 0 : i32
    %sign3A_57 = arith.cmpi sgt, %jit3A_49, %sign3A_56 : i32
    %sign3A_58 = arith.extui %sign3A_57 : i1 to i32
    %sign3A_59 = arith.constant 0 : i32
    %sign3A_60 = arith.cmpi slt, %jit3A_49, %sign3A_59 : i32
    %sign3A_61 = arith.extui %sign3A_60 : i1 to i32
    %sign3A_62 = arith.subi %sign3A_58, %sign3A_61 : i32
    %ne3A_63 = arith.cmpi ne, %sign3A_55, %sign3A_62 : i32
    %rem3A_64 = arith.remsi %min3A_37, %jit3A_49 : i32
    %ne3A_65 = arith.constant 0 : i32
    %ne3A_66 = arith.cmpi ne, %rem3A_64, %ne3A_65 : i32
    %and3A_67 = arith.andi %ne3A_63, %ne3A_66 : i1
    %sub3A = arith.constant 1 : i32
    %sub3A_68 = arith.subi %div3A, %sub3A : i32
    %select_n3A_69 = arith.select %and3A_67, %sub3A_68, %div3A : i32
    %add3A_70 = arith.constant 32 : i32
    %add3A_71 = arith.addi %add3A, %add3A_70 : i32
    %min3A_72 = arith.constant 247 : i32
    %min3A_73 = arith.minsi %add3A_71, %min3A_72 : i32
    %jit3A_74 = arith.constant 2 : i32
    %eq3A_75 = arith.constant 0 : i32
    %eq3A_76 = arith.cmpi eq, %jit3A_74, %eq3A_75 : i32
    %jit3A_77 = arith.constant 1 : i32
    %select_n3A_78 = arith.select %eq3A_76, %jit3A_77, %jit3A_74 : i32
    %rem3A_79 = arith.remsi %min3A_73, %select_n3A_78 : i32
    %ne3A_80 = arith.constant 0 : i32
    %ne3A_81 = arith.cmpi ne, %rem3A_79, %ne3A_80 : i32
    %lt3A_82 = arith.constant 0 : i32
    %lt3A_83 = arith.cmpi slt, %rem3A_79, %lt3A_82 : i32
    %lt3A_84 = arith.constant 0 : i32
    %lt3A_85 = arith.cmpi slt, %select_n3A_78, %lt3A_84 : i32
    %ne3A_86 = arith.xori %lt3A_83, %lt3A_85 : i1
    %and3A_87 = arith.andi %ne3A_86, %ne3A_81 : i1
    %add3A_88 = arith.addi %rem3A_79, %select_n3A_78 : i32
    %select_n3A_89 = arith.select %and3A_87, %add3A_88, %rem3A_79 : i32
    %jit3A_90 = arith.constant 2 : i32
    %div3A_91 = arith.divsi %min3A_73, %jit3A_90 : i32
    %sign3A_92 = arith.constant 0 : i32
    %sign3A_93 = arith.cmpi sgt, %min3A_73, %sign3A_92 : i32
    %sign3A_94 = arith.extui %sign3A_93 : i1 to i32
    %sign3A_95 = arith.constant 0 : i32
    %sign3A_96 = arith.cmpi slt, %min3A_73, %sign3A_95 : i32
    %sign3A_97 = arith.extui %sign3A_96 : i1 to i32
    %sign3A_98 = arith.subi %sign3A_94, %sign3A_97 : i32
    %sign3A_99 = arith.constant 0 : i32
    %sign3A_100 = arith.cmpi sgt, %jit3A_90, %sign3A_99 : i32
    %sign3A_101 = arith.extui %sign3A_100 : i1 to i32
    %sign3A_102 = arith.constant 0 : i32
    %sign3A_103 = arith.cmpi slt, %jit3A_90, %sign3A_102 : i32
    %sign3A_104 = arith.extui %sign3A_103 : i1 to i32
    %sign3A_105 = arith.subi %sign3A_101, %sign3A_104 : i32
    %ne3A_106 = arith.cmpi ne, %sign3A_98, %sign3A_105 : i32
    %rem3A_107 = arith.remsi %min3A_73, %jit3A_90 : i32
    %ne3A_108 = arith.constant 0 : i32
    %ne3A_109 = arith.cmpi ne, %rem3A_107, %ne3A_108 : i32
    %and3A_110 = arith.andi %ne3A_106, %ne3A_109 : i1
    %sub3A_111 = arith.constant 1 : i32
    %sub3A_112 = arith.subi %div3A_91, %sub3A_111 : i32
    %select_n3A_113 = arith.select %and3A_110, %sub3A_112, %div3A_91 : i32
    %add3A_114 = arith.constant 64 : i32
    %add3A_115 = arith.addi %add3A, %add3A_114 : i32
    %min3A_116 = arith.constant 247 : i32
    %min3A_117 = arith.minsi %add3A_115, %min3A_116 : i32
    %jit3A_118 = arith.constant 2 : i32
    %eq3A_119 = arith.constant 0 : i32
    %eq3A_120 = arith.cmpi eq, %jit3A_118, %eq3A_119 : i32
    %jit3A_121 = arith.constant 1 : i32
    %select_n3A_122 = arith.select %eq3A_120, %jit3A_121, %jit3A_118 : i32
    %rem3A_123 = arith.remsi %min3A_117, %select_n3A_122 : i32
    %ne3A_124 = arith.constant 0 : i32
    %ne3A_125 = arith.cmpi ne, %rem3A_123, %ne3A_124 : i32
    %lt3A_126 = arith.constant 0 : i32
    %lt3A_127 = arith.cmpi slt, %rem3A_123, %lt3A_126 : i32
    %lt3A_128 = arith.constant 0 : i32
    %lt3A_129 = arith.cmpi slt, %select_n3A_122, %lt3A_128 : i32
    %ne3A_130 = arith.xori %lt3A_127, %lt3A_129 : i1
    %and3A_131 = arith.andi %ne3A_130, %ne3A_125 : i1
    %add3A_132 = arith.addi %rem3A_123, %select_n3A_122 : i32
    %select_n3A_133 = arith.select %and3A_131, %add3A_132, %rem3A_123 : i32
    %jit3A_134 = arith.constant 2 : i32
    %div3A_135 = arith.divsi %min3A_117, %jit3A_134 : i32
    %sign3A_136 = arith.constant 0 : i32
    %sign3A_137 = arith.cmpi sgt, %min3A_117, %sign3A_136 : i32
    %sign3A_138 = arith.extui %sign3A_137 : i1 to i32
    %sign3A_139 = arith.constant 0 : i32
    %sign3A_140 = arith.cmpi slt, %min3A_117, %sign3A_139 : i32
    %sign3A_141 = arith.extui %sign3A_140 : i1 to i32
    %sign3A_142 = arith.subi %sign3A_138, %sign3A_141 : i32
    %sign3A_143 = arith.constant 0 : i32
    %sign3A_144 = arith.cmpi sgt, %jit3A_134, %sign3A_143 : i32
    %sign3A_145 = arith.extui %sign3A_144 : i1 to i32
    %sign3A_146 = arith.constant 0 : i32
    %sign3A_147 = arith.cmpi slt, %jit3A_134, %sign3A_146 : i32
    %sign3A_148 = arith.extui %sign3A_147 : i1 to i32
    %sign3A_149 = arith.subi %sign3A_145, %sign3A_148 : i32
    %ne3A_150 = arith.cmpi ne, %sign3A_142, %sign3A_149 : i32
    %rem3A_151 = arith.remsi %min3A_117, %jit3A_134 : i32
    %ne3A_152 = arith.constant 0 : i32
    %ne3A_153 = arith.cmpi ne, %rem3A_151, %ne3A_152 : i32
    %and3A_154 = arith.andi %ne3A_150, %ne3A_153 : i1
    %sub3A_155 = arith.constant 1 : i32
    %sub3A_156 = arith.subi %div3A_135, %sub3A_155 : i32
    %select_n3A_157 = arith.select %and3A_154, %sub3A_156, %div3A_135 : i32
    %add3A_158 = arith.constant 96 : i32
    %add3A_159 = arith.addi %add3A, %add3A_158 : i32
    %min3A_160 = arith.constant 247 : i32
    %min3A_161 = arith.minsi %add3A_159, %min3A_160 : i32
    %jit3A_162 = arith.constant 2 : i32
    %eq3A_163 = arith.constant 0 : i32
    %eq3A_164 = arith.cmpi eq, %jit3A_162, %eq3A_163 : i32
    %jit3A_165 = arith.constant 1 : i32
    %select_n3A_166 = arith.select %eq3A_164, %jit3A_165, %jit3A_162 : i32
    %rem3A_167 = arith.remsi %min3A_161, %select_n3A_166 : i32
    %ne3A_168 = arith.constant 0 : i32
    %ne3A_169 = arith.cmpi ne, %rem3A_167, %ne3A_168 : i32
    %lt3A_170 = arith.constant 0 : i32
    %lt3A_171 = arith.cmpi slt, %rem3A_167, %lt3A_170 : i32
    %lt3A_172 = arith.constant 0 : i32
    %lt3A_173 = arith.cmpi slt, %select_n3A_166, %lt3A_172 : i32
    %ne3A_174 = arith.xori %lt3A_171, %lt3A_173 : i1
    %and3A_175 = arith.andi %ne3A_174, %ne3A_169 : i1
    %add3A_176 = arith.addi %rem3A_167, %select_n3A_166 : i32
    %select_n3A_177 = arith.select %and3A_175, %add3A_176, %rem3A_167 : i32
    %jit3A_178 = arith.constant 2 : i32
    %div3A_179 = arith.divsi %min3A_161, %jit3A_178 : i32
    %sign3A_180 = arith.constant 0 : i32
    %sign3A_181 = arith.cmpi sgt, %min3A_161, %sign3A_180 : i32
    %sign3A_182 = arith.extui %sign3A_181 : i1 to i32
    %sign3A_183 = arith.constant 0 : i32
    %sign3A_184 = arith.cmpi slt, %min3A_161, %sign3A_183 : i32
    %sign3A_185 = arith.extui %sign3A_184 : i1 to i32
    %sign3A_186 = arith.subi %sign3A_182, %sign3A_185 : i32
    %sign3A_187 = arith.constant 0 : i32
    %sign3A_188 = arith.cmpi sgt, %jit3A_178, %sign3A_187 : i32
    %sign3A_189 = arith.extui %sign3A_188 : i1 to i32
    %sign3A_190 = arith.constant 0 : i32
    %sign3A_191 = arith.cmpi slt, %jit3A_178, %sign3A_190 : i32
    %sign3A_192 = arith.extui %sign3A_191 : i1 to i32
    %sign3A_193 = arith.subi %sign3A_189, %sign3A_192 : i32
    %ne3A_194 = arith.cmpi ne, %sign3A_186, %sign3A_193 : i32
    %rem3A_195 = arith.remsi %min3A_161, %jit3A_178 : i32
    %ne3A_196 = arith.constant 0 : i32
    %ne3A_197 = arith.cmpi ne, %rem3A_195, %ne3A_196 : i32
    %and3A_198 = arith.andi %ne3A_194, %ne3A_197 : i1
    %sub3A_199 = arith.constant 1 : i32
    %sub3A_200 = arith.subi %div3A_179, %sub3A_199 : i32
    %select_n3A_201 = arith.select %and3A_198, %sub3A_200, %div3A_179 : i32
    %add3A_202 = arith.constant 128 : i32
    %add3A_203 = arith.addi %add3A, %add3A_202 : i32
    %min3A_204 = arith.constant 247 : i32
    %min3A_205 = arith.minsi %add3A_203, %min3A_204 : i32
    %jit3A_206 = arith.constant 2 : i32
    %eq3A_207 = arith.constant 0 : i32
    %eq3A_208 = arith.cmpi eq, %jit3A_206, %eq3A_207 : i32
    %jit3A_209 = arith.constant 1 : i32
    %select_n3A_210 = arith.select %eq3A_208, %jit3A_209, %jit3A_206 : i32
    %rem3A_211 = arith.remsi %min3A_205, %select_n3A_210 : i32
    %ne3A_212 = arith.constant 0 : i32
    %ne3A_213 = arith.cmpi ne, %rem3A_211, %ne3A_212 : i32
    %lt3A_214 = arith.constant 0 : i32
    %lt3A_215 = arith.cmpi slt, %rem3A_211, %lt3A_214 : i32
    %lt3A_216 = arith.constant 0 : i32
    %lt3A_217 = arith.cmpi slt, %select_n3A_210, %lt3A_216 : i32
    %ne3A_218 = arith.xori %lt3A_215, %lt3A_217 : i1
    %and3A_219 = arith.andi %ne3A_218, %ne3A_213 : i1
    %add3A_220 = arith.addi %rem3A_211, %select_n3A_210 : i32
    %select_n3A_221 = arith.select %and3A_219, %add3A_220, %rem3A_211 : i32
    %jit3A_222 = arith.constant 2 : i32
    %div3A_223 = arith.divsi %min3A_205, %jit3A_222 : i32
    %sign3A_224 = arith.constant 0 : i32
    %sign3A_225 = arith.cmpi sgt, %min3A_205, %sign3A_224 : i32
    %sign3A_226 = arith.extui %sign3A_225 : i1 to i32
    %sign3A_227 = arith.constant 0 : i32
    %sign3A_228 = arith.cmpi slt, %min3A_205, %sign3A_227 : i32
    %sign3A_229 = arith.extui %sign3A_228 : i1 to i32
    %sign3A_230 = arith.subi %sign3A_226, %sign3A_229 : i32
    %sign3A_231 = arith.constant 0 : i32
    %sign3A_232 = arith.cmpi sgt, %jit3A_222, %sign3A_231 : i32
    %sign3A_233 = arith.extui %sign3A_232 : i1 to i32
    %sign3A_234 = arith.constant 0 : i32
    %sign3A_235 = arith.cmpi slt, %jit3A_222, %sign3A_234 : i32
    %sign3A_236 = arith.extui %sign3A_235 : i1 to i32
    %sign3A_237 = arith.subi %sign3A_233, %sign3A_236 : i32
    %ne3A_238 = arith.cmpi ne, %sign3A_230, %sign3A_237 : i32
    %rem3A_239 = arith.remsi %min3A_205, %jit3A_222 : i32
    %ne3A_240 = arith.constant 0 : i32
    %ne3A_241 = arith.cmpi ne, %rem3A_239, %ne3A_240 : i32
    %and3A_242 = arith.andi %ne3A_238, %ne3A_241 : i1
    %sub3A_243 = arith.constant 1 : i32
    %sub3A_244 = arith.subi %div3A_223, %sub3A_243 : i32
    %select_n3A_245 = arith.select %and3A_242, %sub3A_244, %div3A_223 : i32
    %add3A_246 = arith.constant 160 : i32
    %add3A_247 = arith.addi %add3A, %add3A_246 : i32
    %min3A_248 = arith.constant 247 : i32
    %min3A_249 = arith.minsi %add3A_247, %min3A_248 : i32
    %jit3A_250 = arith.constant 2 : i32
    %eq3A_251 = arith.constant 0 : i32
    %eq3A_252 = arith.cmpi eq, %jit3A_250, %eq3A_251 : i32
    %jit3A_253 = arith.constant 1 : i32
    %select_n3A_254 = arith.select %eq3A_252, %jit3A_253, %jit3A_250 : i32
    %rem3A_255 = arith.remsi %min3A_249, %select_n3A_254 : i32
    %ne3A_256 = arith.constant 0 : i32
    %ne3A_257 = arith.cmpi ne, %rem3A_255, %ne3A_256 : i32
    %lt3A_258 = arith.constant 0 : i32
    %lt3A_259 = arith.cmpi slt, %rem3A_255, %lt3A_258 : i32
    %lt3A_260 = arith.constant 0 : i32
    %lt3A_261 = arith.cmpi slt, %select_n3A_254, %lt3A_260 : i32
    %ne3A_262 = arith.xori %lt3A_259, %lt3A_261 : i1
    %and3A_263 = arith.andi %ne3A_262, %ne3A_257 : i1
    %add3A_264 = arith.addi %rem3A_255, %select_n3A_254 : i32
    %select_n3A_265 = arith.select %and3A_263, %add3A_264, %rem3A_255 : i32
    %jit3A_266 = arith.constant 2 : i32
    %div3A_267 = arith.divsi %min3A_249, %jit3A_266 : i32
    %sign3A_268 = arith.constant 0 : i32
    %sign3A_269 = arith.cmpi sgt, %min3A_249, %sign3A_268 : i32
    %sign3A_270 = arith.extui %sign3A_269 : i1 to i32
    %sign3A_271 = arith.constant 0 : i32
    %sign3A_272 = arith.cmpi slt, %min3A_249, %sign3A_271 : i32
    %sign3A_273 = arith.extui %sign3A_272 : i1 to i32
    %sign3A_274 = arith.subi %sign3A_270, %sign3A_273 : i32
    %sign3A_275 = arith.constant 0 : i32
    %sign3A_276 = arith.cmpi sgt, %jit3A_266, %sign3A_275 : i32
    %sign3A_277 = arith.extui %sign3A_276 : i1 to i32
    %sign3A_278 = arith.constant 0 : i32
    %sign3A_279 = arith.cmpi slt, %jit3A_266, %sign3A_278 : i32
    %sign3A_280 = arith.extui %sign3A_279 : i1 to i32
    %sign3A_281 = arith.subi %sign3A_277, %sign3A_280 : i32
    %ne3A_282 = arith.cmpi ne, %sign3A_274, %sign3A_281 : i32
    %rem3A_283 = arith.remsi %min3A_249, %jit3A_266 : i32
    %ne3A_284 = arith.constant 0 : i32
    %ne3A_285 = arith.cmpi ne, %rem3A_283, %ne3A_284 : i32
    %and3A_286 = arith.andi %ne3A_282, %ne3A_285 : i1
    %sub3A_287 = arith.constant 1 : i32
    %sub3A_288 = arith.subi %div3A_267, %sub3A_287 : i32
    %select_n3A_289 = arith.select %and3A_286, %sub3A_288, %div3A_267 : i32
    %add3A_290 = arith.constant 192 : i32
    %add3A_291 = arith.addi %add3A, %add3A_290 : i32
    %min3A_292 = arith.constant 247 : i32
    %min3A_293 = arith.minsi %add3A_291, %min3A_292 : i32
    %jit3A_294 = arith.constant 2 : i32
    %eq3A_295 = arith.constant 0 : i32
    %eq3A_296 = arith.cmpi eq, %jit3A_294, %eq3A_295 : i32
    %jit3A_297 = arith.constant 1 : i32
    %select_n3A_298 = arith.select %eq3A_296, %jit3A_297, %jit3A_294 : i32
    %rem3A_299 = arith.remsi %min3A_293, %select_n3A_298 : i32
    %ne3A_300 = arith.constant 0 : i32
    %ne3A_301 = arith.cmpi ne, %rem3A_299, %ne3A_300 : i32
    %lt3A_302 = arith.constant 0 : i32
    %lt3A_303 = arith.cmpi slt, %rem3A_299, %lt3A_302 : i32
    %lt3A_304 = arith.constant 0 : i32
    %lt3A_305 = arith.cmpi slt, %select_n3A_298, %lt3A_304 : i32
    %ne3A_306 = arith.xori %lt3A_303, %lt3A_305 : i1
    %and3A_307 = arith.andi %ne3A_306, %ne3A_301 : i1
    %add3A_308 = arith.addi %rem3A_299, %select_n3A_298 : i32
    %select_n3A_309 = arith.select %and3A_307, %add3A_308, %rem3A_299 : i32
    %jit3A_310 = arith.constant 2 : i32
    %div3A_311 = arith.divsi %min3A_293, %jit3A_310 : i32
    %sign3A_312 = arith.constant 0 : i32
    %sign3A_313 = arith.cmpi sgt, %min3A_293, %sign3A_312 : i32
    %sign3A_314 = arith.extui %sign3A_313 : i1 to i32
    %sign3A_315 = arith.constant 0 : i32
    %sign3A_316 = arith.cmpi slt, %min3A_293, %sign3A_315 : i32
    %sign3A_317 = arith.extui %sign3A_316 : i1 to i32
    %sign3A_318 = arith.subi %sign3A_314, %sign3A_317 : i32
    %sign3A_319 = arith.constant 0 : i32
    %sign3A_320 = arith.cmpi sgt, %jit3A_310, %sign3A_319 : i32
    %sign3A_321 = arith.extui %sign3A_320 : i1 to i32
    %sign3A_322 = arith.constant 0 : i32
    %sign3A_323 = arith.cmpi slt, %jit3A_310, %sign3A_322 : i32
    %sign3A_324 = arith.extui %sign3A_323 : i1 to i32
    %sign3A_325 = arith.subi %sign3A_321, %sign3A_324 : i32
    %ne3A_326 = arith.cmpi ne, %sign3A_318, %sign3A_325 : i32
    %rem3A_327 = arith.remsi %min3A_293, %jit3A_310 : i32
    %ne3A_328 = arith.constant 0 : i32
    %ne3A_329 = arith.cmpi ne, %rem3A_327, %ne3A_328 : i32
    %and3A_330 = arith.andi %ne3A_326, %ne3A_329 : i1
    %sub3A_331 = arith.constant 1 : i32
    %sub3A_332 = arith.subi %div3A_311, %sub3A_331 : i32
    %select_n3A_333 = arith.select %and3A_330, %sub3A_332, %div3A_311 : i32
    %add3A_334 = arith.constant 224 : i32
    %add3A_335 = arith.addi %add3A, %add3A_334 : i32
    %min3A_336 = arith.constant 247 : i32
    %min3A_337 = arith.minsi %add3A_335, %min3A_336 : i32
    %jit3A_338 = arith.constant 2 : i32
    %eq3A_339 = arith.constant 0 : i32
    %eq3A_340 = arith.cmpi eq, %jit3A_338, %eq3A_339 : i32
    %jit3A_341 = arith.constant 1 : i32
    %select_n3A_342 = arith.select %eq3A_340, %jit3A_341, %jit3A_338 : i32
    %rem3A_343 = arith.remsi %min3A_337, %select_n3A_342 : i32
    %ne3A_344 = arith.constant 0 : i32
    %ne3A_345 = arith.cmpi ne, %rem3A_343, %ne3A_344 : i32
    %lt3A_346 = arith.constant 0 : i32
    %lt3A_347 = arith.cmpi slt, %rem3A_343, %lt3A_346 : i32
    %lt3A_348 = arith.constant 0 : i32
    %lt3A_349 = arith.cmpi slt, %select_n3A_342, %lt3A_348 : i32
    %ne3A_350 = arith.xori %lt3A_347, %lt3A_349 : i1
    %and3A_351 = arith.andi %ne3A_350, %ne3A_345 : i1
    %add3A_352 = arith.addi %rem3A_343, %select_n3A_342 : i32
    %select_n3A_353 = arith.select %and3A_351, %add3A_352, %rem3A_343 : i32
    %jit3A_354 = arith.constant 2 : i32
    %div3A_355 = arith.divsi %min3A_337, %jit3A_354 : i32
    %sign3A_356 = arith.constant 0 : i32
    %sign3A_357 = arith.cmpi sgt, %min3A_337, %sign3A_356 : i32
    %sign3A_358 = arith.extui %sign3A_357 : i1 to i32
    %sign3A_359 = arith.constant 0 : i32
    %sign3A_360 = arith.cmpi slt, %min3A_337, %sign3A_359 : i32
    %sign3A_361 = arith.extui %sign3A_360 : i1 to i32
    %sign3A_362 = arith.subi %sign3A_358, %sign3A_361 : i32
    %sign3A_363 = arith.constant 0 : i32
    %sign3A_364 = arith.cmpi sgt, %jit3A_354, %sign3A_363 : i32
    %sign3A_365 = arith.extui %sign3A_364 : i1 to i32
    %sign3A_366 = arith.constant 0 : i32
    %sign3A_367 = arith.cmpi slt, %jit3A_354, %sign3A_366 : i32
    %sign3A_368 = arith.extui %sign3A_367 : i1 to i32
    %sign3A_369 = arith.subi %sign3A_365, %sign3A_368 : i32
    %ne3A_370 = arith.cmpi ne, %sign3A_362, %sign3A_369 : i32
    %rem3A_371 = arith.remsi %min3A_337, %jit3A_354 : i32
    %ne3A_372 = arith.constant 0 : i32
    %ne3A_373 = arith.cmpi ne, %rem3A_371, %ne3A_372 : i32
    %and3A_374 = arith.andi %ne3A_370, %ne3A_373 : i1
    %sub3A_375 = arith.constant 1 : i32
    %sub3A_376 = arith.subi %div3A_355, %sub3A_375 : i32
    %select_n3A_377 = arith.select %and3A_374, %sub3A_376, %div3A_355 : i32
    %add3A_378 = vector.broadcast %select_n3A_48 : i32 to vector<16xi32>
    %add3A_379 = arith.addi %add3A_31, %add3A_378 : vector<16xi32>
    %mul3A_380 = arith.constant 2048 : i32
    %mul3A_381 = arith.muli %select_n3A_69, %mul3A_380 : i32
    %dma_start3A = tpu.memref_reshape %arg3 : memref<16x4x2x262144xf32, #tpu.memory_space<hbm>> -> memref<128x262144xf32, #tpu.memory_space<hbm>>
    %dma_start3A_382 = arith.constant 0 : i32
    %dma_start3A_383 = tpu.memref_slice %dma_start3A[%dma_start3A_382, %mul3A_381] : memref<128x262144xf32, #tpu.memory_space<hbm>> -> memref<128x2048xf32, #tpu.memory_space<hbm>>
    tpu.enqueue_indirect_dma source(%dma_start3A_383 : memref<128x2048xf32, #tpu.memory_space<hbm>>) target(%arg6 : memref<16x2048xf32, #tpu.memory_space<vmem>>) offsets(%add3A_379 : vector<16xi32>) semaphore(%arg8 : memref<!tpu.dma_semaphore, #tpu.memory_space<semaphore_mem>>)
    %dma_wait3A = tpu.memref_reshape %arg3 : memref<16x4x2x262144xf32, #tpu.memory_space<hbm>> -> memref<128x262144xf32, #tpu.memory_space<hbm>>
    %dma_wait3A_384 = arith.constant 0 : i32
    %dma_wait3A_385 = tpu.memref_slice %dma_wait3A[%dma_wait3A_384, %mul3A_381] : memref<128x262144xf32, #tpu.memory_space<hbm>> -> memref<128x2048xf32, #tpu.memory_space<hbm>>
    tpu.wait_indirect_dma semaphore(%arg8 : memref<!tpu.dma_semaphore, #tpu.memory_space<semaphore_mem>>) src(%dma_wait3A_385 : memref<128x2048xf32, #tpu.memory_space<hbm>>) dst(%arg6 : memref<16x2048xf32, #tpu.memory_space<vmem>>)
    %add3A_386 = vector.broadcast %select_n3A_48 : i32 to vector<16xi32>
    %add3A_387 = arith.addi %mul3A_34, %add3A_386 : vector<16xi32>
    %mul3A_388 = arith.constant 2048 : i32
    %mul3A_389 = arith.muli %select_n3A_69, %mul3A_388 : i32
    %dma_start3A_390 = tpu.memref_reshape %arg4 : memref<16x2x253952xf32, #tpu.memory_space<hbm>> -> memref<32x253952xf32, #tpu.memory_space<hbm>>
    %dma_start3A_391 = arith.constant 0 : i32
    %dma_start3A_392 = tpu.memref_slice %dma_start3A_390[%dma_start3A_391, %mul3A_389] : memref<32x253952xf32, #tpu.memory_space<hbm>> -> memref<32x2048xf32, #tpu.memory_space<hbm>>
    tpu.enqueue_indirect_dma source(%arg6 : memref<16x2048xf32, #tpu.memory_space<vmem>>) target(%dma_start3A_392 : memref<32x2048xf32, #tpu.memory_space<hbm>>) offsets(%add3A_387 : vector<16xi32>) semaphore(%arg9 : memref<!tpu.dma_semaphore, #tpu.memory_space<semaphore_mem>>)
    %add3A_393 = vector.broadcast %select_n3A_89 : i32 to vector<16xi32>
    %add3A_394 = arith.addi %add3A_31, %add3A_393 : vector<16xi32>
    %mul3A_395 = arith.constant 2048 : i32
    %mul3A_396 = arith.muli %select_n3A_113, %mul3A_395 : i32
    %dma_start3A_397 = tpu.memref_reshape %arg3 : memref<16x4x2x262144xf32, #tpu.memory_space<hbm>> -> memref<128x262144xf32, #tpu.memory_space<hbm>>
    %dma_start3A_398 = arith.constant 0 : i32
    %dma_start3A_399 = tpu.memref_slice %dma_start3A_397[%dma_start3A_398, %mul3A_396] : memref<128x262144xf32, #tpu.memory_space<hbm>> -> memref<128x2048xf32, #tpu.memory_space<hbm>>
    tpu.enqueue_indirect_dma source(%dma_start3A_399 : memref<128x2048xf32, #tpu.memory_space<hbm>>) target(%arg7 : memref<16x2048xf32, #tpu.memory_space<vmem>>) offsets(%add3A_394 : vector<16xi32>) semaphore(%arg8 : memref<!tpu.dma_semaphore, #tpu.memory_space<semaphore_mem>>)
    %dma_wait3A_400 = tpu.memref_reshape %arg3 : memref<16x4x2x262144xf32, #tpu.memory_space<hbm>> -> memref<128x262144xf32, #tpu.memory_space<hbm>>
    %dma_wait3A_401 = arith.constant 0 : i32
    %dma_wait3A_402 = tpu.memref_slice %dma_wait3A_400[%dma_wait3A_401, %mul3A_396] : memref<128x262144xf32, #tpu.memory_space<hbm>> -> memref<128x2048xf32, #tpu.memory_space<hbm>>
    tpu.wait_indirect_dma semaphore(%arg8 : memref<!tpu.dma_semaphore, #tpu.memory_space<semaphore_mem>>) src(%dma_wait3A_402 : memref<128x2048xf32, #tpu.memory_space<hbm>>) dst(%arg7 : memref<16x2048xf32, #tpu.memory_space<vmem>>)
    %add3A_403 = vector.broadcast %select_n3A_89 : i32 to vector<16xi32>
    %add3A_404 = arith.addi %mul3A_34, %add3A_403 : vector<16xi32>
    %mul3A_405 = arith.constant 2048 : i32
    %mul3A_406 = arith.muli %select_n3A_113, %mul3A_405 : i32
    %dma_start3A_407 = tpu.memref_reshape %arg4 : memref<16x2x253952xf32, #tpu.memory_space<hbm>> -> memref<32x253952xf32, #tpu.memory_space<hbm>>
    %dma_start3A_408 = arith.constant 0 : i32
    %dma_start3A_409 = tpu.memref_slice %dma_start3A_407[%dma_start3A_408, %mul3A_406] : memref<32x253952xf32, #tpu.memory_space<hbm>> -> memref<32x2048xf32, #tpu.memory_space<hbm>>
    tpu.enqueue_indirect_dma source(%arg7 : memref<16x2048xf32, #tpu.memory_space<vmem>>) target(%dma_start3A_409 : memref<32x2048xf32, #tpu.memory_space<hbm>>) offsets(%add3A_404 : vector<16xi32>) semaphore(%arg9 : memref<!tpu.dma_semaphore, #tpu.memory_space<semaphore_mem>>)
    %add3A_410 = vector.broadcast %select_n3A_48 : i32 to vector<16xi32>
    %add3A_411 = arith.addi %mul3A_34, %add3A_410 : vector<16xi32>
    %mul3A_412 = arith.constant 2048 : i32
    %mul3A_413 = arith.muli %select_n3A_69, %mul3A_412 : i32
    %dma_wait3A_414 = tpu.memref_reshape %arg4 : memref<16x2x253952xf32, #tpu.memory_space<hbm>> -> memref<32x253952xf32, #tpu.memory_space<hbm>>
    %dma_wait3A_415 = arith.constant 0 : i32
    %dma_wait3A_416 = tpu.memref_slice %dma_wait3A_414[%dma_wait3A_415, %mul3A_413] : memref<32x253952xf32, #tpu.memory_space<hbm>> -> memref<32x2048xf32, #tpu.memory_space<hbm>>
    tpu.wait_indirect_dma semaphore(%arg9 : memref<!tpu.dma_semaphore, #tpu.memory_space<semaphore_mem>>) src(%arg6 : memref<16x2048xf32, #tpu.memory_space<vmem>>) dst(%dma_wait3A_416 : memref<32x2048xf32, #tpu.memory_space<hbm>>)
    %add3A_417 = vector.broadcast %select_n3A_133 : i32 to vector<16xi32>
    %add3A_418 = arith.addi %add3A_31, %add3A_417 : vector<16xi32>
    %mul3A_419 = arith.constant 2048 : i32
    %mul3A_420 = arith.muli %select_n3A_157, %mul3A_419 : i32
    %dma_start3A_421 = tpu.memref_reshape %arg3 : memref<16x4x2x262144xf32, #tpu.memory_space<hbm>> -> memref<128x262144xf32, #tpu.memory_space<hbm>>
    %dma_start3A_422 = arith.constant 0 : i32
    %dma_start3A_423 = tpu.memref_slice %dma_start3A_421[%dma_start3A_422, %mul3A_420] : memref<128x262144xf32, #tpu.memory_space<hbm>> -> memref<128x2048xf32, #tpu.memory_space<hbm>>
    tpu.enqueue_indirect_dma source(%dma_start3A_423 : memref<128x2048xf32, #tpu.memory_space<hbm>>) target(%arg6 : memref<16x2048xf32, #tpu.memory_space<vmem>>) offsets(%add3A_418 : vector<16xi32>) semaphore(%arg8 : memref<!tpu.dma_semaphore, #tpu.memory_space<semaphore_mem>>)
    %dma_wait3A_424 = tpu.memref_reshape %arg3 : memref<16x4x2x262144xf32, #tpu.memory_space<hbm>> -> memref<128x262144xf32, #tpu.memory_space<hbm>>
    %dma_wait3A_425 = arith.constant 0 : i32
    %dma_wait3A_426 = tpu.memref_slice %dma_wait3A_424[%dma_wait3A_425, %mul3A_420] : memref<128x262144xf32, #tpu.memory_space<hbm>> -> memref<128x2048xf32, #tpu.memory_space<hbm>>
    tpu.wait_indirect_dma semaphore(%arg8 : memref<!tpu.dma_semaphore, #tpu.memory_space<semaphore_mem>>) src(%dma_wait3A_426 : memref<128x2048xf32, #tpu.memory_space<hbm>>) dst(%arg6 : memref<16x2048xf32, #tpu.memory_space<vmem>>)
    %add3A_427 = vector.broadcast %select_n3A_133 : i32 to vector<16xi32>
    %add3A_428 = arith.addi %mul3A_34, %add3A_427 : vector<16xi32>
    %mul3A_429 = arith.constant 2048 : i32
    %mul3A_430 = arith.muli %select_n3A_157, %mul3A_429 : i32
    %dma_start3A_431 = tpu.memref_reshape %arg4 : memref<16x2x253952xf32, #tpu.memory_space<hbm>> -> memref<32x253952xf32, #tpu.memory_space<hbm>>
    %dma_start3A_432 = arith.constant 0 : i32
    %dma_start3A_433 = tpu.memref_slice %dma_start3A_431[%dma_start3A_432, %mul3A_430] : memref<32x253952xf32, #tpu.memory_space<hbm>> -> memref<32x2048xf32, #tpu.memory_space<hbm>>
    tpu.enqueue_indirect_dma source(%arg6 : memref<16x2048xf32, #tpu.memory_space<vmem>>) target(%dma_start3A_433 : memref<32x2048xf32, #tpu.memory_space<hbm>>) offsets(%add3A_428 : vector<16xi32>) semaphore(%arg9 : memref<!tpu.dma_semaphore, #tpu.memory_space<semaphore_mem>>)
    %add3A_434 = vector.broadcast %select_n3A_89 : i32 to vector<16xi32>
    %add3A_435 = arith.addi %mul3A_34, %add3A_434 : vector<16xi32>
    %mul3A_436 = arith.constant 2048 : i32
    %mul3A_437 = arith.muli %select_n3A_113, %mul3A_436 : i32
    %dma_wait3A_438 = tpu.memref_reshape %arg4 : memref<16x2x253952xf32, #tpu.memory_space<hbm>> -> memref<32x253952xf32, #tpu.memory_space<hbm>>
    %dma_wait3A_439 = arith.constant 0 : i32
    %dma_wait3A_440 = tpu.memref_slice %dma_wait3A_438[%dma_wait3A_439, %mul3A_437] : memref<32x253952xf32, #tpu.memory_space<hbm>> -> memref<32x2048xf32, #tpu.memory_space<hbm>>
    tpu.wait_indirect_dma semaphore(%arg9 : memref<!tpu.dma_semaphore, #tpu.memory_space<semaphore_mem>>) src(%arg7 : memref<16x2048xf32, #tpu.memory_space<vmem>>) dst(%dma_wait3A_440 : memref<32x2048xf32, #tpu.memory_space<hbm>>)
    %add3A_441 = vector.broadcast %select_n3A_177 : i32 to vector<16xi32>
    %add3A_442 = arith.addi %add3A_31, %add3A_441 : vector<16xi32>
    %mul3A_443 = arith.constant 2048 : i32
    %mul3A_444 = arith.muli %select_n3A_201, %mul3A_443 : i32
    %dma_start3A_445 = tpu.memref_reshape %arg3 : memref<16x4x2x262144xf32, #tpu.memory_space<hbm>> -> memref<128x262144xf32, #tpu.memory_space<hbm>>
    %dma_start3A_446 = arith.constant 0 : i32
    %dma_start3A_447 = tpu.memref_slice %dma_start3A_445[%dma_start3A_446, %mul3A_444] : memref<128x262144xf32, #tpu.memory_space<hbm>> -> memref<128x2048xf32, #tpu.memory_space<hbm>>
    tpu.enqueue_indirect_dma source(%dma_start3A_447 : memref<128x2048xf32, #tpu.memory_space<hbm>>) target(%arg7 : memref<16x2048xf32, #tpu.memory_space<vmem>>) offsets(%add3A_442 : vector<16xi32>) semaphore(%arg8 : memref<!tpu.dma_semaphore, #tpu.memory_space<semaphore_mem>>)
    %dma_wait3A_448 = tpu.memref_reshape %arg3 : memref<16x4x2x262144xf32, #tpu.memory_space<hbm>> -> memref<128x262144xf32, #tpu.memory_space<hbm>>
    %dma_wait3A_449 = arith.constant 0 : i32
    %dma_wait3A_450 = tpu.memref_slice %dma_wait3A_448[%dma_wait3A_449, %mul3A_444] : memref<128x262144xf32, #tpu.memory_space<hbm>> -> memref<128x2048xf32, #tpu.memory_space<hbm>>
    tpu.wait_indirect_dma semaphore(%arg8 : memref<!tpu.dma_semaphore, #tpu.memory_space<semaphore_mem>>) src(%dma_wait3A_450 : memref<128x2048xf32, #tpu.memory_space<hbm>>) dst(%arg7 : memref<16x2048xf32, #tpu.memory_space<vmem>>)
    %add3A_451 = vector.broadcast %select_n3A_177 : i32 to vector<16xi32>
    %add3A_452 = arith.addi %mul3A_34, %add3A_451 : vector<16xi32>
    %mul3A_453 = arith.constant 2048 : i32
    %mul3A_454 = arith.muli %select_n3A_201, %mul3A_453 : i32
    %dma_start3A_455 = tpu.memref_reshape %arg4 : memref<16x2x253952xf32, #tpu.memory_space<hbm>> -> memref<32x253952xf32, #tpu.memory_space<hbm>>
    %dma_start3A_456 = arith.constant 0 : i32
    %dma_start3A_457 = tpu.memref_slice %dma_start3A_455[%dma_start3A_456, %mul3A_454] : memref<32x253952xf32, #tpu.memory_space<hbm>> -> memref<32x2048xf32, #tpu.memory_space<hbm>>
    tpu.enqueue_indirect_dma source(%arg7 : memref<16x2048xf32, #tpu.memory_space<vmem>>) target(%dma_start3A_457 : memref<32x2048xf32, #tpu.memory_space<hbm>>) offsets(%add3A_452 : vector<16xi32>) semaphore(%arg9 : memref<!tpu.dma_semaphore, #tpu.memory_space<semaphore_mem>>)
    %add3A_458 = vector.broadcast %select_n3A_133 : i32 to vector<16xi32>
    %add3A_459 = arith.addi %mul3A_34, %add3A_458 : vector<16xi32>
    %mul3A_460 = arith.constant 2048 : i32
    %mul3A_461 = arith.muli %select_n3A_157, %mul3A_460 : i32
    %dma_wait3A_462 = tpu.memref_reshape %arg4 : memref<16x2x253952xf32, #tpu.memory_space<hbm>> -> memref<32x253952xf32, #tpu.memory_space<hbm>>
    %dma_wait3A_463 = arith.constant 0 : i32
    %dma_wait3A_464 = tpu.memref_slice %dma_wait3A_462[%dma_wait3A_463, %mul3A_461] : memref<32x253952xf32, #tpu.memory_space<hbm>> -> memref<32x2048xf32, #tpu.memory_space<hbm>>
    tpu.wait_indirect_dma semaphore(%arg9 : memref<!tpu.dma_semaphore, #tpu.memory_space<semaphore_mem>>) src(%arg6 : memref<16x2048xf32, #tpu.memory_space<vmem>>) dst(%dma_wait3A_464 : memref<32x2048xf32, #tpu.memory_space<hbm>>)
    %add3A_465 = vector.broadcast %select_n3A_221 : i32 to vector<16xi32>
    %add3A_466 = arith.addi %add3A_31, %add3A_465 : vector<16xi32>
    %mul3A_467 = arith.constant 2048 : i32
    %mul3A_468 = arith.muli %select_n3A_245, %mul3A_467 : i32
    %dma_start3A_469 = tpu.memref_reshape %arg3 : memref<16x4x2x262144xf32, #tpu.memory_space<hbm>> -> memref<128x262144xf32, #tpu.memory_space<hbm>>
    %dma_start3A_470 = arith.constant 0 : i32
    %dma_start3A_471 = tpu.memref_slice %dma_start3A_469[%dma_start3A_470, %mul3A_468] : memref<128x262144xf32, #tpu.memory_space<hbm>> -> memref<128x2048xf32, #tpu.memory_space<hbm>>
    tpu.enqueue_indirect_dma source(%dma_start3A_471 : memref<128x2048xf32, #tpu.memory_space<hbm>>) target(%arg6 : memref<16x2048xf32, #tpu.memory_space<vmem>>) offsets(%add3A_466 : vector<16xi32>) semaphore(%arg8 : memref<!tpu.dma_semaphore, #tpu.memory_space<semaphore_mem>>)
    %dma_wait3A_472 = tpu.memref_reshape %arg3 : memref<16x4x2x262144xf32, #tpu.memory_space<hbm>> -> memref<128x262144xf32, #tpu.memory_space<hbm>>
    %dma_wait3A_473 = arith.constant 0 : i32
    %dma_wait3A_474 = tpu.memref_slice %dma_wait3A_472[%dma_wait3A_473, %mul3A_468] : memref<128x262144xf32, #tpu.memory_space<hbm>> -> memref<128x2048xf32, #tpu.memory_space<hbm>>
    tpu.wait_indirect_dma semaphore(%arg8 : memref<!tpu.dma_semaphore, #tpu.memory_space<semaphore_mem>>) src(%dma_wait3A_474 : memref<128x2048xf32, #tpu.memory_space<hbm>>) dst(%arg6 : memref<16x2048xf32, #tpu.memory_space<vmem>>)
    %add3A_475 = vector.broadcast %select_n3A_221 : i32 to vector<16xi32>
    %add3A_476 = arith.addi %mul3A_34, %add3A_475 : vector<16xi32>
    %mul3A_477 = arith.constant 2048 : i32
    %mul3A_478 = arith.muli %select_n3A_245, %mul3A_477 : i32
    %dma_start3A_479 = tpu.memref_reshape %arg4 : memref<16x2x253952xf32, #tpu.memory_space<hbm>> -> memref<32x253952xf32, #tpu.memory_space<hbm>>
    %dma_start3A_480 = arith.constant 0 : i32
    %dma_start3A_481 = tpu.memref_slice %dma_start3A_479[%dma_start3A_480, %mul3A_478] : memref<32x253952xf32, #tpu.memory_space<hbm>> -> memref<32x2048xf32, #tpu.memory_space<hbm>>
    tpu.enqueue_indirect_dma source(%arg6 : memref<16x2048xf32, #tpu.memory_space<vmem>>) target(%dma_start3A_481 : memref<32x2048xf32, #tpu.memory_space<hbm>>) offsets(%add3A_476 : vector<16xi32>) semaphore(%arg9 : memref<!tpu.dma_semaphore, #tpu.memory_space<semaphore_mem>>)
    %add3A_482 = vector.broadcast %select_n3A_177 : i32 to vector<16xi32>
    %add3A_483 = arith.addi %mul3A_34, %add3A_482 : vector<16xi32>
    %mul3A_484 = arith.constant 2048 : i32
    %mul3A_485 = arith.muli %select_n3A_201, %mul3A_484 : i32
    %dma_wait3A_486 = tpu.memref_reshape %arg4 : memref<16x2x253952xf32, #tpu.memory_space<hbm>> -> memref<32x253952xf32, #tpu.memory_space<hbm>>
    %dma_wait3A_487 = arith.constant 0 : i32
    %dma_wait3A_488 = tpu.memref_slice %dma_wait3A_486[%dma_wait3A_487, %mul3A_485] : memref<32x253952xf32, #tpu.memory_space<hbm>> -> memref<32x2048xf32, #tpu.memory_space<hbm>>
    tpu.wait_indirect_dma semaphore(%arg9 : memref<!tpu.dma_semaphore, #tpu.memory_space<semaphore_mem>>) src(%arg7 : memref<16x2048xf32, #tpu.memory_space<vmem>>) dst(%dma_wait3A_488 : memref<32x2048xf32, #tpu.memory_space<hbm>>)
    %add3A_489 = vector.broadcast %select_n3A_265 : i32 to vector<16xi32>
    %add3A_490 = arith.addi %add3A_31, %add3A_489 : vector<16xi32>
    %mul3A_491 = arith.constant 2048 : i32
    %mul3A_492 = arith.muli %select_n3A_289, %mul3A_491 : i32
    %dma_start3A_493 = tpu.memref_reshape %arg3 : memref<16x4x2x262144xf32, #tpu.memory_space<hbm>> -> memref<128x262144xf32, #tpu.memory_space<hbm>>
    %dma_start3A_494 = arith.constant 0 : i32
    %dma_start3A_495 = tpu.memref_slice %dma_start3A_493[%dma_start3A_494, %mul3A_492] : memref<128x262144xf32, #tpu.memory_space<hbm>> -> memref<128x2048xf32, #tpu.memory_space<hbm>>
    tpu.enqueue_indirect_dma source(%dma_start3A_495 : memref<128x2048xf32, #tpu.memory_space<hbm>>) target(%arg7 : memref<16x2048xf32, #tpu.memory_space<vmem>>) offsets(%add3A_490 : vector<16xi32>) semaphore(%arg8 : memref<!tpu.dma_semaphore, #tpu.memory_space<semaphore_mem>>)
    %dma_wait3A_496 = tpu.memref_reshape %arg3 : memref<16x4x2x262144xf32, #tpu.memory_space<hbm>> -> memref<128x262144xf32, #tpu.memory_space<hbm>>
    %dma_wait3A_497 = arith.constant 0 : i32
    %dma_wait3A_498 = tpu.memref_slice %dma_wait3A_496[%dma_wait3A_497, %mul3A_492] : memref<128x262144xf32, #tpu.memory_space<hbm>> -> memref<128x2048xf32, #tpu.memory_space<hbm>>
    tpu.wait_indirect_dma semaphore(%arg8 : memref<!tpu.dma_semaphore, #tpu.memory_space<semaphore_mem>>) src(%dma_wait3A_498 : memref<128x2048xf32, #tpu.memory_space<hbm>>) dst(%arg7 : memref<16x2048xf32, #tpu.memory_space<vmem>>)
    %add3A_499 = vector.broadcast %select_n3A_265 : i32 to vector<16xi32>
    %add3A_500 = arith.addi %mul3A_34, %add3A_499 : vector<16xi32>
    %mul3A_501 = arith.constant 2048 : i32
    %mul3A_502 = arith.muli %select_n3A_289, %mul3A_501 : i32
    %dma_start3A_503 = tpu.memref_reshape %arg4 : memref<16x2x253952xf32, #tpu.memory_space<hbm>> -> memref<32x253952xf32, #tpu.memory_space<hbm>>
    %dma_start3A_504 = arith.constant 0 : i32
    %dma_start3A_505 = tpu.memref_slice %dma_start3A_503[%dma_start3A_504, %mul3A_502] : memref<32x253952xf32, #tpu.memory_space<hbm>> -> memref<32x2048xf32, #tpu.memory_space<hbm>>
    tpu.enqueue_indirect_dma source(%arg7 : memref<16x2048xf32, #tpu.memory_space<vmem>>) target(%dma_start3A_505 : memref<32x2048xf32, #tpu.memory_space<hbm>>) offsets(%add3A_500 : vector<16xi32>) semaphore(%arg9 : memref<!tpu.dma_semaphore, #tpu.memory_space<semaphore_mem>>)
    %add3A_506 = vector.broadcast %select_n3A_221 : i32 to vector<16xi32>
    %add3A_507 = arith.addi %mul3A_34, %add3A_506 : vector<16xi32>
    %mul3A_508 = arith.constant 2048 : i32
    %mul3A_509 = arith.muli %select_n3A_245, %mul3A_508 : i32
    %dma_wait3A_510 = tpu.memref_reshape %arg4 : memref<16x2x253952xf32, #tpu.memory_space<hbm>> -> memref<32x253952xf32, #tpu.memory_space<hbm>>
    %dma_wait3A_511 = arith.constant 0 : i32
    %dma_wait3A_512 = tpu.memref_slice %dma_wait3A_510[%dma_wait3A_511, %mul3A_509] : memref<32x253952xf32, #tpu.memory_space<hbm>> -> memref<32x2048xf32, #tpu.memory_space<hbm>>
    tpu.wait_indirect_dma semaphore(%arg9 : memref<!tpu.dma_semaphore, #tpu.memory_space<semaphore_mem>>) src(%arg6 : memref<16x2048xf32, #tpu.memory_space<vmem>>) dst(%dma_wait3A_512 : memref<32x2048xf32, #tpu.memory_space<hbm>>)
    %add3A_513 = vector.broadcast %select_n3A_309 : i32 to vector<16xi32>
    %add3A_514 = arith.addi %add3A_31, %add3A_513 : vector<16xi32>
    %mul3A_515 = arith.constant 2048 : i32
    %mul3A_516 = arith.muli %select_n3A_333, %mul3A_515 : i32
    %dma_start3A_517 = tpu.memref_reshape %arg3 : memref<16x4x2x262144xf32, #tpu.memory_space<hbm>> -> memref<128x262144xf32, #tpu.memory_space<hbm>>
    %dma_start3A_518 = arith.constant 0 : i32
    %dma_start3A_519 = tpu.memref_slice %dma_start3A_517[%dma_start3A_518, %mul3A_516] : memref<128x262144xf32, #tpu.memory_space<hbm>> -> memref<128x2048xf32, #tpu.memory_space<hbm>>
    tpu.enqueue_indirect_dma source(%dma_start3A_519 : memref<128x2048xf32, #tpu.memory_space<hbm>>) target(%arg6 : memref<16x2048xf32, #tpu.memory_space<vmem>>) offsets(%add3A_514 : vector<16xi32>) semaphore(%arg8 : memref<!tpu.dma_semaphore, #tpu.memory_space<semaphore_mem>>)
    %dma_wait3A_520 = tpu.memref_reshape %arg3 : memref<16x4x2x262144xf32, #tpu.memory_space<hbm>> -> memref<128x262144xf32, #tpu.memory_space<hbm>>
    %dma_wait3A_521 = arith.constant 0 : i32
    %dma_wait3A_522 = tpu.memref_slice %dma_wait3A_520[%dma_wait3A_521, %mul3A_516] : memref<128x262144xf32, #tpu.memory_space<hbm>> -> memref<128x2048xf32, #tpu.memory_space<hbm>>
    tpu.wait_indirect_dma semaphore(%arg8 : memref<!tpu.dma_semaphore, #tpu.memory_space<semaphore_mem>>) src(%dma_wait3A_522 : memref<128x2048xf32, #tpu.memory_space<hbm>>) dst(%arg6 : memref<16x2048xf32, #tpu.memory_space<vmem>>)
    %add3A_523 = vector.broadcast %select_n3A_309 : i32 to vector<16xi32>
    %add3A_524 = arith.addi %mul3A_34, %add3A_523 : vector<16xi32>
    %mul3A_525 = arith.constant 2048 : i32
    %mul3A_526 = arith.muli %select_n3A_333, %mul3A_525 : i32
    %dma_start3A_527 = tpu.memref_reshape %arg4 : memref<16x2x253952xf32, #tpu.memory_space<hbm>> -> memref<32x253952xf32, #tpu.memory_space<hbm>>
    %dma_start3A_528 = arith.constant 0 : i32
    %dma_start3A_529 = tpu.memref_slice %dma_start3A_527[%dma_start3A_528, %mul3A_526] : memref<32x253952xf32, #tpu.memory_space<hbm>> -> memref<32x2048xf32, #tpu.memory_space<hbm>>
    tpu.enqueue_indirect_dma source(%arg6 : memref<16x2048xf32, #tpu.memory_space<vmem>>) target(%dma_start3A_529 : memref<32x2048xf32, #tpu.memory_space<hbm>>) offsets(%add3A_524 : vector<16xi32>) semaphore(%arg9 : memref<!tpu.dma_semaphore, #tpu.memory_space<semaphore_mem>>)
    %add3A_530 = vector.broadcast %select_n3A_265 : i32 to vector<16xi32>
    %add3A_531 = arith.addi %mul3A_34, %add3A_530 : vector<16xi32>
    %mul3A_532 = arith.constant 2048 : i32
    %mul3A_533 = arith.muli %select_n3A_289, %mul3A_532 : i32
    %dma_wait3A_534 = tpu.memref_reshape %arg4 : memref<16x2x253952xf32, #tpu.memory_space<hbm>> -> memref<32x253952xf32, #tpu.memory_space<hbm>>
    %dma_wait3A_535 = arith.constant 0 : i32
    %dma_wait3A_536 = tpu.memref_slice %dma_wait3A_534[%dma_wait3A_535, %mul3A_533] : memref<32x253952xf32, #tpu.memory_space<hbm>> -> memref<32x2048xf32, #tpu.memory_space<hbm>>
    tpu.wait_indirect_dma semaphore(%arg9 : memref<!tpu.dma_semaphore, #tpu.memory_space<semaphore_mem>>) src(%arg7 : memref<16x2048xf32, #tpu.memory_space<vmem>>) dst(%dma_wait3A_536 : memref<32x2048xf32, #tpu.memory_space<hbm>>)
    %add3A_537 = vector.broadcast %select_n3A_353 : i32 to vector<16xi32>
    %add3A_538 = arith.addi %add3A_31, %add3A_537 : vector<16xi32>
    %mul3A_539 = arith.constant 2048 : i32
    %mul3A_540 = arith.muli %select_n3A_377, %mul3A_539 : i32
    %dma_start3A_541 = tpu.memref_reshape %arg3 : memref<16x4x2x262144xf32, #tpu.memory_space<hbm>> -> memref<128x262144xf32, #tpu.memory_space<hbm>>
    %dma_start3A_542 = arith.constant 0 : i32
    %dma_start3A_543 = tpu.memref_slice %dma_start3A_541[%dma_start3A_542, %mul3A_540] : memref<128x262144xf32, #tpu.memory_space<hbm>> -> memref<128x2048xf32, #tpu.memory_space<hbm>>
    tpu.enqueue_indirect_dma source(%dma_start3A_543 : memref<128x2048xf32, #tpu.memory_space<hbm>>) target(%arg7 : memref<16x2048xf32, #tpu.memory_space<vmem>>) offsets(%add3A_538 : vector<16xi32>) semaphore(%arg8 : memref<!tpu.dma_semaphore, #tpu.memory_space<semaphore_mem>>)
    %dma_wait3A_544 = tpu.memref_reshape %arg3 : memref<16x4x2x262144xf32, #tpu.memory_space<hbm>> -> memref<128x262144xf32, #tpu.memory_space<hbm>>
    %dma_wait3A_545 = arith.constant 0 : i32
    %dma_wait3A_546 = tpu.memref_slice %dma_wait3A_544[%dma_wait3A_545, %mul3A_540] : memref<128x262144xf32, #tpu.memory_space<hbm>> -> memref<128x2048xf32, #tpu.memory_space<hbm>>
    tpu.wait_indirect_dma semaphore(%arg8 : memref<!tpu.dma_semaphore, #tpu.memory_space<semaphore_mem>>) src(%dma_wait3A_546 : memref<128x2048xf32, #tpu.memory_space<hbm>>) dst(%arg7 : memref<16x2048xf32, #tpu.memory_space<vmem>>)
    %add3A_547 = vector.broadcast %select_n3A_353 : i32 to vector<16xi32>
    %add3A_548 = arith.addi %mul3A_34, %add3A_547 : vector<16xi32>
    %mul3A_549 = arith.constant 2048 : i32
    %mul3A_550 = arith.muli %select_n3A_377, %mul3A_549 : i32
    %dma_start3A_551 = tpu.memref_reshape %arg4 : memref<16x2x253952xf32, #tpu.memory_space<hbm>> -> memref<32x253952xf32, #tpu.memory_space<hbm>>
    %dma_start3A_552 = arith.constant 0 : i32
    %dma_start3A_553 = tpu.memref_slice %dma_start3A_551[%dma_start3A_552, %mul3A_550] : memref<32x253952xf32, #tpu.memory_space<hbm>> -> memref<32x2048xf32, #tpu.memory_space<hbm>>
    tpu.enqueue_indirect_dma source(%arg7 : memref<16x2048xf32, #tpu.memory_space<vmem>>) target(%dma_start3A_553 : memref<32x2048xf32, #tpu.memory_space<hbm>>) offsets(%add3A_548 : vector<16xi32>) semaphore(%arg9 : memref<!tpu.dma_semaphore, #tpu.memory_space<semaphore_mem>>)
    %add3A_554 = vector.broadcast %select_n3A_309 : i32 to vector<16xi32>
    %add3A_555 = arith.addi %mul3A_34, %add3A_554 : vector<16xi32>
    %mul3A_556 = arith.constant 2048 : i32
    %mul3A_557 = arith.muli %select_n3A_333, %mul3A_556 : i32
    %dma_wait3A_558 = tpu.memref_reshape %arg4 : memref<16x2x253952xf32, #tpu.memory_space<hbm>> -> memref<32x253952xf32, #tpu.memory_space<hbm>>
    %dma_wait3A_559 = arith.constant 0 : i32
    %dma_wait3A_560 = tpu.memref_slice %dma_wait3A_558[%dma_wait3A_559, %mul3A_557] : memref<32x253952xf32, #tpu.memory_space<hbm>> -> memref<32x2048xf32, #tpu.memory_space<hbm>>
    tpu.wait_indirect_dma semaphore(%arg9 : memref<!tpu.dma_semaphore, #tpu.memory_space<semaphore_mem>>) src(%arg6 : memref<16x2048xf32, #tpu.memory_space<vmem>>) dst(%dma_wait3A_560 : memref<32x2048xf32, #tpu.memory_space<hbm>>)
    %add3A_561 = vector.broadcast %select_n3A_353 : i32 to vector<16xi32>
    %add3A_562 = arith.addi %mul3A_34, %add3A_561 : vector<16xi32>
    %mul3A_563 = arith.constant 2048 : i32
    %mul3A_564 = arith.muli %select_n3A_377, %mul3A_563 : i32
    %dma_wait3A_565 = tpu.memref_reshape %arg4 : memref<16x2x253952xf32, #tpu.memory_space<hbm>> -> memref<32x253952xf32, #tpu.memory_space<hbm>>
    %dma_wait3A_566 = arith.constant 0 : i32
    %dma_wait3A_567 = tpu.memref_slice %dma_wait3A_565[%dma_wait3A_566, %mul3A_564] : memref<32x253952xf32, #tpu.memory_space<hbm>> -> memref<32x2048xf32, #tpu.memory_space<hbm>>
    tpu.wait_indirect_dma semaphore(%arg9 : memref<!tpu.dma_semaphore, #tpu.memory_space<semaphore_mem>>) src(%arg7 : memref<16x2048xf32, #tpu.memory_space<vmem>>) dst(%dma_wait3A_567 : memref<32x2048xf32, #tpu.memory_space<hbm>>)
    return
  }
}

module attributes {stable_mosaic.version = 14 : i64} {
  func.func @_wav_body(%arg0: i32, %arg1: memref<1x4x2x253952xf32, #tpu.memory_space<vmem>>, %arg2: memref<1x4x2x253952xf32, #tpu.memory_space<vmem>>) attributes {dimension_semantics = [#tpu.dimension_semantics<parallel>], iteration_bounds = array<i64: 16>, scalar_prefetch = 0 : i64, scratch_operands = 0 : i64, tpu.core_type = #tpu.core_type<tc>, window_params = [{transform_indices = @transform_0, window_bounds = array<i64: 1, 4, 2, 253952>}, {transform_indices = @transform_1, window_bounds = array<i64: 1, 4, 2, 253952>}]} {
    %get3A = arith.constant 0 : index
    %get3A_0 = arith.constant 0 : index
    %get3A_1 = arith.constant 0 : index
    %get3A_2 = arith.constant 0 : index
    %get3A_3 = vector.load %arg1[%get3A, %get3A_0, %get3A_1, %get3A_2] : memref<1x4x2x253952xf32, #tpu.memory_space<vmem>>, vector<1x4x2x253952xf32>
    %swap3A = arith.constant 0 : index
    %swap3A_4 = arith.constant 0 : index
    %swap3A_5 = arith.constant 0 : index
    %swap3A_6 = arith.constant 0 : index
    %swap3A_7 = vector.load %arg2[%swap3A, %swap3A_4, %swap3A_5, %swap3A_6] : memref<1x4x2x253952xf32, #tpu.memory_space<vmem>>, vector<1x4x2x253952xf32>
    tpu.vector_store %arg2[%swap3A, %swap3A_4, %swap3A_5, %swap3A_6], %get3A_3 {strides = array<i32>} : memref<1x4x2x253952xf32, #tpu.memory_space<vmem>>, vector<1x4x2x253952xf32>,
    return
  }
  func.func @transform_0(%arg0: i32) -> (i32, i32, i32, i32) {
    %c0_i32 = arith.constant 0 : i32
    %c0_i32_0 = arith.constant 0 : i32
    %c0_i32_1 = arith.constant 0 : i32
    %c0_i32_2 = arith.constant 0 : i32
    return %arg0, %c0_i32, %c0_i32_0, %c0_i32_1 : i32, i32, i32, i32
  }
  func.func @transform_1(%arg0: i32) -> (i32, i32, i32, i32) {
    %c0_i32 = arith.constant 0 : i32
    %c0_i32_0 = arith.constant 0 : i32
    %c0_i32_1 = arith.constant 0 : i32
    %c0_i32_2 = arith.constant 0 : i32
    return %arg0, %c0_i32, %c0_i32_0, %c0_i32_1 : i32, i32, i32, i32
  }
}

</mosaic_0001>

<sc_bundles>
// kernel: kernel.4.cloned.1.call-start
scs
__scs_entry_jumppad:
0x0: {  	(pc) =	sbr.rel $0x88, $3  }
0x1: {  	(tag) =	ssettag $0x0;
	lr =	simm.s32 $0x1  }
0x2: {  	[smem:$0x3F9F] =	sst lr;
	_ =	strace $0xD0000000  }
0x3: {  	_ = 	snop  }
0x4: {  	_ = 	snop  }
0x5: {  	_ = 	snop  }
0x6: {  	_ = 	snop  }
0x7: {  	_ = 	snop  }
__scs_overlays_trampoline_lowered:
0x8: {  	[smem:$0x3FAE] =	sst s0  }
0x9: {  	[smem:$0x3FAF] =	sst s1  }
0xa: {  	[smem:$0x3FB0] =	sst s2  }
0xb: {  	[smem:$0x3FB1] =	sst s3  }
0xc: {  	[smem:$0x3FB2] =	sst s4  }
0xd: {  	[smem:$0x3FB3] =	sst s5  }
0xe: {  	[smem:$0x3FB4] =	sst s6  }
0xf: {  	[smem:$0x3FB5] =	sst s7  }
0x10: {  	[smem:$0x3FB6] =	sst s8  }
0x11: {  	[smem:$0x3FB7] =	sst s9;
	s0 =	simm.s32 @!p0 $0x0  }
0x12: {  	s1 =	sld [smem:$0x3F9D];
	s0 =	simm.s32 @p0 $0x1  }
0x13: {  	[smem:$0x3FB8] =	sst s0;
	s0 =	simm.s32 @!p1 $0x0  }
0x14: {  	s2 =	sld [smem:$0x3F9C];
	s0 =	simm.s32 @p1 $0x1  }
0x15: {  	[smem:$0x3FB9] =	sst s0;
	s0 =	simm.s32 @!p2 $0x0  }
0x16: {  	s3 =	sld [smem:$0x3FDB];
	s0 =	simm.s32 @p2 $0x1  }
0x17: {  	s4 =	simm.s32 $0x1BF5;
	[smem:$0x3FBB] =	sst s0  }
0x18: {  	s0 =	sld [smem:$0x3F9E];
	_ =	swait.ge [sflag:s4], $0x0  }
0x19: {  	s7 =	sld [smem:$0x3F9F]  }
0x1a: {  	s8 =	sadd.s32 $0xFFFFE003, lr  }
0x1b: {  	s9 =	sadd.s32 $0xFFFFFEF7, lr;
	s5 =	simm.s32 $0xFFFFFFFF;
	p2 =	slt.u32 s8, $0xFFFFF086  }
0x1c: {  	p1 =	slt.u32 s9, $0xF7A;
	s5 =	simm.s32 @!p2 $0x0  }
0x1d: {  	s5 =	simm.s32 @p1 $0x1;
	p0 =	seq.s32 s7, s2  }
0x1e: {  	s7 =	smul.u32 @!p0 $0xF7A, s2;
	p2 =	seq.s32 @!p0 s5, $0x0  }
0x1f: {  	s9 =	smul.u32 $0xF7A, s1;
	s8 =	simm.s32 @!p0 $0x1BF5;
	p2 =	por !p2, p0  }
0x20: {  	[sflag:s8] =	ssyncset.s32 @!p0 $0xFFFFF086;
	s6 =	sadd.s32 @!p0 s3, s7;
	s7 =	simm.s32 @!p0 $0x108  }
0x21: {  	s3 =	sadd.s32 s3, s9;
	s6 =	sadd.s32 @!p0 $0x88, s6;
	s7 =	simm.s32 @p2 $0x1082  }
0x22: {  	[simem:s7], [sflag:s8] =	dma.local @!p0 [hbm:s6], $0xF7A  }
0x23: {  	s9 =	sor.u32 $0xD0000000, s2;
	s6 =	simm.s32 $0x108;
	_ =	swait.ge @!p0 [sflag:s8], $0x0  }
0x24: {  	s3 =	sadd.s32 $0x88, s3;
	s6 =	simm.s32 @!p1 $0x1082;
	[sflag:s4] =	ssyncset.s32 $0xFFFFF086  }
0x25: {  	[simem:s6], [sflag:s4] =	dma.local [hbm:s3], $0xF7A  }
0x26: {  	[smem:$0x3F9F] =	sst s1;
	(tag) =	ssettag s2;
	_ =	strace s9  }
0x27: {  	s1 =	sld [smem:$0x3FAF]  }
0x28: {  	s2 =	sld [smem:$0x3FB0]  }
0x29: {  	s4 =	sld [smem:$0x3FB2]  }
0x2a: {  	p0 =	seq.s32 s5, $0x0;
	s5 =	sld [smem:$0x3FB3]  }
0x2b: {  	s6 =	sld [smem:$0x3FB4]  }
0x2c: {  	s7 =	sld [smem:$0x3FB5]  }
0x2d: {  	s3 =	simm.s32 $0x108;
	s8 =	sld [smem:$0x3FB6]  }
0x2e: {  	s3 =	simm.s32 @!p0 $0x1082;
	s9 =	sld [smem:$0x3FB7]  }
0x2f: {  	lr =	sadd.s32 s0, s3;
	s0 =	sld [smem:$0x3FAE]  }
0x30: {  	s3 =	sld [smem:$0x3FB1]  }
0x31: {  	[smem:$0x3FBA] =	sst s10  }
0x32: {  	s10 =	sld [smem:$0x3FB8];
	_ =	sdelay $0x3  }
0x33: {  	p0 =	seq.s32 s10, $0x1;
	s10 =	sld [smem:$0x3FBA];
	_ =	sdelay $0x3  }
0x34: {  	[smem:$0x3FBA] =	sst s10  }
0x35: {  	s10 =	sld [smem:$0x3FB9];
	_ =	sdelay $0x3  }
0x36: {  	p1 =	seq.s32 s10, $0x1;
	s10 =	sld [smem:$0x3FBA];
	_ =	sdelay $0x3  }
0x37: {  	[smem:$0x3FBA] =	sst s10  }
0x38: {  	s10 =	sld [smem:$0x3FBB]  }
0x39: {  	_ = 	snop;
	(pc) =	sbr.ind lr, $3  }
0x3a: {  	_ = 	snop  }
0x3b: {  	_ = 	snop  }
0x3c: {  	p2 =	seq.s32 s10, $0x1;
	s10 =	sld [smem:$0x3FBA]  }
0x3d: {  	_ =	shalt  }
0x3e: {  	_ =	shalt  }
0x3f: {  	_ =	shalt  }
0x40: {  	_ =	shalt  }
0x41: {  	_ =	shalt  }
0x42: {  	_ =	shalt  }
0x43: {  	_ =	shalt  }
0x44: {  	_ =	shalt  }
0x45: {  	_ =	shalt  }
0x46: {  	_ =	shalt  }
0x47: {  	_ =	shalt  }
0x48: {  	_ =	shalt  }
0x49: {  	_ =	shalt  }
0x4a: {  	_ =	shalt  }
0x4b: {  	_ =	shalt  }
0x4c: {  	_ =	shalt  }
0x4d: {  	_ =	shalt  }
0x4e: {  	_ =	shalt  }
0x4f: {  	_ =	shalt  }
0x50: {  	_ =	shalt  }
0x51: {  	_ =	shalt  }
0x52: {  	_ =	shalt  }
0x53: {  	_ =	shalt  }
0x54: {  	_ =	shalt  }
0x55: {  	_ =	shalt  }
0x56: {  	_ =	shalt  }
0x57: {  	_ =	shalt  }
0x58: {  	_ =	shalt  }
0x59: {  	_ =	shalt  }
0x5a: {  	_ =	shalt  }
0x5b: {  	_ =	shalt  }
0x5c: {  	_ =	shalt  }
0x5d: {  	_ =	shalt  }
0x5e: {  	_ =	shalt  }
0x5f: {  	_ =	shalt  }
0x60: {  	_ =	shalt  }
0x61: {  	_ =	shalt  }
0x62: {  	_ =	shalt  }
0x63: {  	_ =	shalt  }
0x64: {  	_ =	shalt  }
0x65: {  	_ =	shalt  }
0x66: {  	_ =	shalt  }
0x67: {  	_ =	shalt  }
0x68: {  	_ =	shalt  }
0x69: {  	_ =	shalt  }
0x6a: {  	_ =	shalt  }
0x6b: {  	_ =	shalt  }
0x6c: {  	_ =	shalt  }
0x6d: {  	_ =	shalt  }
0x6e: {  	_ =	shalt  }
0x6f: {  	_ =	shalt  }
0x70: {  	_ =	shalt  }
0x71: {  	_ =	shalt  }
0x72: {  	_ =	shalt  }
0x73: {  	_ =	shalt  }
0x74: {  	_ =	shalt  }
0x75: {  	_ =	shalt  }
0x76: {  	_ =	shalt  }
0x77: {  	_ =	shalt  }
0x78: {  	_ =	shalt  }
0x79: {  	_ =	shalt  }
0x7a: {  	_ =	shalt  }
0x7b: {  	_ =	shalt  }
0x7c: {  	_ =	shalt  }
0x7d: {  	_ =	shalt  }
0x7e: {  	_ =	shalt  }
0x7f: {  	_ =	shalt  }
0x80: {  	_ =	shalt  }
0x81: {  	_ =	shalt  }
0x82: {  	_ =	shalt  }
0x83: {  	_ =	shalt  }
0x84: {  	_ =	shalt  }
0x85: {  	_ =	shalt  }
0x86: {  	_ =	shalt  }
0x87: {  	_ =	shalt  }
.Lfunc_end0:
.L_simem_size_0:
called_computation_lowered:
.L_overlay_start_0:
0x88: {  	s2 =	sld [smem:$0x3FD9]  }
0x89: {  	s3 =	sld [smem:$0x3FFE];
	_ =	sdelay $0x1  }
0x8a: {  	s1 =	srdreg.scid  }
0x8b: {  	s0 =	sand.u32 $0x1, s1  }
0x8c: {  	s15 =	sshll.u32 s0, $0xA;
	s2 =	sadd.s32 s3, s2  }
0x8d: {  	s2 =	sadd.s32 s2, s15  }
0x8e: {  	[smem:$0x3FC6] =	sst s2  }
0x8f: {  	_ = 	snop  }
0x90: {  	s2 =	sld [smem:$0x3FD0];
	_ =	sdelay $0x2  }
0x91: {  	s4 =	simm.s32 $0xA;
	s5 =	simm.s32 $0x10;
	s16 =	sld [smem:$0x3FC8]  }
0x92: {  	[smem:s5], [sflag:s4] =	dma.local [hbm:s2], $0x1  }
0x93: {  	_ =	swait.eq [sflag:s4], $0x1  }
0x94: {  	[sflag:s4] =	ssyncset.done $0x0  }
0x95: {  	s17 =	sld [smem:$0x10];
	[sflag:s4] =	ssyncadd.s32 $0xFFFFFFFF  }
0x96: {  	s18 =	sld [smem:$0x11];
	(tm) =	ssettm $0x1  }
0x97: {  	s19 =	sld [smem:$0x3FFB];
	_ =	sdelay $0x3  }
0x98: {  	_ =	strace s19  }
0x99: {  	s5 =	sld [smem:$0x3FFC];
	_ =	sdelay $0x3  }
0x9a: {  	_ =	strace s5  }
0x9b: {  	s5 =	sld [smem:$0x3FFD];
	_ =	sdelay $0x3  }
0x9c: {  	_ =	strace s5  }
0x9d: {  	_ =	strace $0x8FFFFFFF  }
0x9e: {  	s20 =	sld [smem:$0x3FDB];
	_ =	sdelay $0x1  }
0x9f: {  	s6 =	simm.s32 $_scs_section_size  }
0xa0: {  	s7 =	simm.s32 $_size__tile_overlayer_lowered;
	s8 =	simm.s32 $_tile_overlayer_lowered  }
0xa1: {  	s23 =	simm.s32 $0x1BFF;
	s22 =	sshll.u32 s8, $0x1;
	s5 =	sadd.s32 s6, s20  }
0xa2: {  	s9 =	simm.s32 $0x0;
	s21 =	sshll.u32 s7, $0x1;
	s7 =	sadd.s32 s22, s5  }
0xa3: {  	[timem:s9], [sflag:s23] =	dma.local [hbm:s7], s21  }
0xa4: {  	_ =	swait.ge [sflag:s23], s21  }
0xa5: {  	s6 =	ssub.s32 $0x0, s21;
	[sflag:s23] =	ssyncset.done $0x0  }
0xa6: {  	[sflag:s23] =	ssyncadd.s32 s6;
	_ =	sdelay $0x1  }
0xa7: {  	s24 =	simm.s32 $0x1B8B  }
0xa8: {  	_ =	swait.ge [sflag:s24], $0x1  }
0xa9: {  	[sflag:s24] =	ssyncset.done $0x0  }
0xaa: {  	s25 =	simm.s32 $0x1B8E;
	[sflag:s24] =	ssyncadd.s32 $0xFFFFFFFF  }
0xab: {  	s26 =	simm.s32 $execute0_lowered;
	[smem:$0x3FD2] =	sst s25  }
0xac: {  	s6 =	sshll.u32 s26, $0x1;
	_ =	strace $0x80000046;
	[dreg:$0x1] =	wrdreg $0xFFFFFFFF  }
0xad: {  	s28 =	simm.s32 $_size_execute0_lowered;
	s5 =	sadd.s32 s5, s6;
	[dreg:$0x0] =	wrdreg $0x0  }
0xae: {  	s6 =	sshll.u32 s28, $0x1;
	[dreg:$0x2] =	wrdreg s5  }
0xaf: {  	[dreg:$0x3] =	wrdreg s6  }
0xb0: {  	[dreg:$0x4] =	wrdreg $0xC0  }
0xb1: {  	_ =	task [dreg:s9], $0x5FFFF  }
0xb2: {  	[dreg:$0x1] =	wrdreg $0xFFFFFFFF  }
0xb3: {  	[dreg:$0x0] =	wrdreg $0x60  }
0xb4: {  	[dreg:$0x2] =	wrdreg s18  }
0xb5: {  	[dreg:$0x3] =	wrdreg s16  }
0xb6: {  	[dreg:$0x4] =	wrdreg s17  }
0xb7: {  	[dreg:$0x5] =	wrdreg $0x9  }
0xb8: {  	_ =	task.clear_ibuf [dreg:s9], $0x6FFFF;
	_ =	strace $0x90000046  }
0xb9: {  	s29 =	simm.s32 $0x9;
	_ =	strace $0x80000048  }
0xba: {  	_ =	swait.ge [sflag:s29], $0x1  }
0xbb: {  	[sflag:s29] =	ssyncadd.s32 $0xFFFFFFFF  }
0xbc: {  	_ =	strace $0x90000048  }
0xbd: {  	_ =	sfence  }
0xbe: {  	s30 =	sld [smem:$0x0];
	_ =	sdelay $0x2  }
0xbf: {  	s31 =	sshll.u32 s1, $0xD;
	s1 =	sshrl.u32 s1, $0x2  }
0xc0: {  	s3 =	sand.u32 $0x4000, s31;
	s1 =	sadd.s32 s1, s30  }
0xc1: {  	s0 =	sor.u32 s3, s0;
	s1 =	sshll.u32 s1, $0x11  }
0xc2: {  	s0 =	sor.u32 s1, s0  }
0xc3: {  	s0 =	sadd.s32 $0x8F2B, s0  }
0xc4: {  	[sflag:s0] =	ssyncadd.remote.s32 $0x1  }
0xc5: {  	_ =	sfence.sel $0xFFFF  }
0xc6: {  	[dreg:$0x0] =	wrdreg $0xFFFFFFFF;
	(pc) =	sbr.abs _section_cstart, $3  }
0xc7: {  	[dreg:$0x1] =	wrdreg $0xFFFFFFFF  }
0xc8: {  	_ =	task.clear_ibuf [dreg:s9], $0x2FFFF;
	_ =	strace $0x9FFFFFFF  }
0xc9: {  	(tm) =	ssettm $0x7FFFFFFF  }
tec
execute0_lowered:
.L_overlay_start_1:
0x0: {  	(tag) =	ssettag $0x1  }
0x1: {  	s0 =	rddreg [dreg:$0x0]  }
0x2: {  	s31 =	rddreg [dreg:$0x1]  }
0x3: {  	s1 =	simm.s32 $0x0;
	[dreg:$0x4] =	wrdreg s0  }
0x4: {  	[smem:$0x7FF] =	sst s1  }
0x5: {  	s30 =	rddreg [dreg:$0x2];
	_ =	strace $0x80000047  }
0x6: {  	s2 =	simm.s32 $0x3;
	s17 =	rddreg [dreg:$0x4]  }
0x7: {  	[tilespmem:s1], [sflag:$0x3] =	stream.linear.gather [hbm4b:s17+s1], $0x80, $0x38;
	[tilespmem:$0x10080] =	vst v63  }
0x8: {  	_ =	swait.ge [sflag:s2], $0x80  }
0x9: {  	[sflag:s2] =	ssyncset.done $0x0  }
0xa: {  	[sflag:s2] =	ssyncadd.s32 $0xFFFFFF80  }
0xb: {  	v1 =	vld [tilespmem:$0x0]  }
0xc: {  	v2 =	vld [tilespmem:$0x10];
	_ =	sdelay $0x1  }
0xd: {  	v3 =	vld [tilespmem:$0x20];
	_ =	sdelay $0x1  }
0xe: {  	v8 =	vlaneseq.u32;
	v4 =	vld [tilespmem:$0x30]  }
0xf: {  	v0 =	vmul.u32 $0x4000, v8;
	vm0 =	vgt.f32 v2, v1  }
0x10: {  	v5 =	vsel vm0, v2, v1  }
0x11: {  	v1 =	vor.u32 $0x1000, v0;
	vm1 =	vgt.f32 v3, v5  }
0x12: {  	s18 =	srdreg.scid;
	v2 =	vor.u32 $0x2000, v0;
	v6 =	vsel vm0, v1, v0;
	v5 =	vsel vm1, v3, v5  }
0x13: {  	s10 =	sand.u32 $0x1, s18;
	v3 =	vor.u32 $0x3000, v0;
	v6 =	vsel vm1, v2, v6;
	vm0 =	vgt.f32 v4, v5  }
0x14: {  	v4 =	vmov s10;
	v11 =	vsel vm0, v3, v6  }
0x15: {  	v5 =	vand.u32 $0x7, v8;
	v6 =	vshrl.u32 v8, $0x3;
	v9 =	vor.u32 v4, v11  }
0x16: {  	v6 =	vmul.u32 $0x2, v6;
	v7 =	vperm.xlane v9, v5;
	_ =	sdelay $0x1  }
0x17: {  	v10 =	vadd.s32 v6, v7;
	_ =	sdelay $0x1  }
0x18: {  	s19 =	stileid.u32  }
0x19: {  	s28 =	sshll.u32 s19, $0x9  }
0x1a: {  	s20 =	simm.s32 $0x80;
	s0 =	sadd.s32 s31, s28;
	vm0 =	vmmov $0xffff  }
0x1b: {  	[tilespmem:s20], [sflag:$0x1] =	stream.indirect_vreg.gather [hbm4b:s0+s1], $0x80, v10, vm0, $0xb8;
	[tilespmem:$0x10080] =	vst v63  }
0x1c: {  	s3 =	simm.s32 $0x880;
	s21 =	sadd.s32 $0x40, s0  }
0x1d: {  	[tilespmem:s3], [sflag:$0x1] =	stream.indirect_vreg.gather [hbm4b:s21+s1], $0x80, v10, vm0, $0xb8;
	[tilespmem:$0x10080] =	vst v63  }
0x1e: {  	s4 =	simm.s32 $0x1080;
	s22 =	sadd.s32 $0x80, s0  }
0x1f: {  	[tilespmem:s4], [sflag:$0x1] =	stream.indirect_vreg.gather [hbm4b:s22+s1], $0x80, v10, vm0, $0xb8;
	[tilespmem:$0x10080] =	vst v63  }
0x20: {  	s5 =	simm.s32 $0x1880;
	s24 =	sadd.s32 $0xC0, s0  }
0x21: {  	[tilespmem:s5], [sflag:$0x1] =	stream.indirect_vreg.gather [hbm4b:s24+s1], $0x80, v10, vm0, $0xb8;
	[tilespmem:$0x10080] =	vst v63  }
0x22: {  	s6 =	simm.s32 $0x2080;
	s25 =	sadd.s32 $0x100, s0  }
0x23: {  	v7 =	vor.u32 $0x8, v8;
	[tilespmem:s6], [sflag:$0x1] =	stream.indirect_vreg.gather [hbm4b:s25+s1], $0x80, v10, vm0, $0xb8;
	[tilespmem:$0x10080] =	vst v63  }
0x24: {  	s7 =	simm.s32 $0x2880;
	v9 =	vperm.xlane v9, v7;
	s6 =	sadd.s32 $0x140, s0  }
0x25: {  	[tilespmem:s7], [sflag:$0x1] =	stream.indirect_vreg.gather [hbm4b:s6+s1], $0x80, v10, vm0, $0xb8;
	[tilespmem:$0x10080] =	vst v63  }
0x26: {  	s8 =	simm.s32 $0x3080;
	v13 =	vadd.s32 v6, v9;
	s7 =	sadd.s32 $0x180, s0  }
0x27: {  	[tilespmem:s8], [sflag:$0x1] =	stream.indirect_vreg.gather [hbm4b:s7+s1], $0x80, v10, vm0, $0xb8;
	[tilespmem:$0x10080] =	vst v63  }
0x28: {  	s18 =	simm.s32 $0x3880;
	[dreg:$0x5] =	wrdreg s0;
	s8 =	sadd.s32 $0x1C0, s0  }
0x29: {  	[tilespmem:s18], [sflag:$0x1] =	stream.indirect_vreg.gather [hbm4b:s8+s1], $0x80, v10, vm0, $0xb8;
	[tilespmem:$0x10080] =	vst v63  }
0x2a: {  	s26 =	simm.s32 $0x4080;
	[dreg:$0x6] =	wrdreg s21  }
0x2b: {  	[tilespmem:s26], [sflag:$0x1] =	stream.indirect_vreg.gather [hbm4b:s0+s1], $0x80, v13, vm0, $0xb8;
	[tilespmem:$0x10080] =	vst v63  }
0x2c: {  	s29 =	simm.s32 $0x4880;
	[dreg:$0x7] =	wrdreg s22  }
0x2d: {  	[tilespmem:s29], [sflag:$0x1] =	stream.indirect_vreg.gather [hbm4b:s21+s1], $0x80, v13, vm0, $0xb8;
	[tilespmem:$0x10080] =	vst v63  }
0x2e: {  	s9 =	simm.s32 $0x5080;
	[dreg:$0x8] =	wrdreg s24  }
0x2f: {  	[tilespmem:s9], [sflag:$0x1] =	stream.indirect_vreg.gather [hbm4b:s22+s1], $0x80, v13, vm0, $0xb8;
	[tilespmem:$0x10080] =	vst v63  }
0x30: {  	s12 =	simm.s32 $0x5880;
	[dreg:$0x9] =	wrdreg s25  }
0x31: {  	[tilespmem:s12], [sflag:$0x1] =	stream.indirect_vreg.gather [hbm4b:s24+s1], $0x80, v13, vm0, $0xb8;
	[tilespmem:$0x10080] =	vst v63  }
0x32: {  	[smem:$0x7E8] =	sst s10;
	s22 =	simm.s32 $0x6080  }
0x33: {  	v12 =	vmul.u32 $0xF80, v8;
	[tilespmem:s22], [sflag:$0x1] =	stream.indirect_vreg.gather [hbm4b:s25+s1], $0x80, v13, vm0, $0xb8;
	[tilespmem:$0x10080] =	vst v63  }
0x34: {  	[dreg:$0xa] =	wrdreg s6;
	s25 =	simm.s32 $0x6880  }
0x35: {  	v9 =	vor.u32 s10, v12;
	[tilespmem:s25], [sflag:$0x1] =	stream.indirect_vreg.gather [hbm4b:s6+s1], $0x80, v13, vm0, $0xb8;
	[tilespmem:$0x10080] =	vst v63  }
0x36: {  	v8 =	vperm.xlane v9, v5;
	[dreg:$0xb] =	wrdreg s7;
	s6 =	simm.s32 $0x7080  }
0x37: {  	[tilespmem:s6], [sflag:$0x1] =	stream.indirect_vreg.gather [hbm4b:s7+s1], $0x80, v13, vm0, $0xb8;
	[tilespmem:$0x10080] =	vst v63  }
0x38: {  	v8 =	vadd.s32 v6, v8;
	[dreg:$0xc] =	wrdreg s8;
	s29 =	simm.s32 $0x1;
	s9 =	simm.s32 $0x7880  }
0x39: {  	[tilespmem:s9], [sflag:$0x1] =	stream.indirect_vreg.gather [hbm4b:s8+s1], $0x80, v13, vm0, $0xb8;
	[tilespmem:$0x10080] =	vst v63  }
0x3a: {  	_ =	swait.ge [sflag:s29], $0x8000  }
0x3b: {  	[sflag:s29] =	ssyncset.done $0x0  }
0x3c: {  	s11 =	simm.s32 $0x80;
	s10 =	sadd.s32 s30, s28;
	[sflag:s29] =	ssyncadd.s32 $0xFFFF8000  }
0x3d: {  	[hbm4b:s10+s1] =	stream.indirect_vreg.scatter [tilespmem:s11], [sflag:$0x2], $0x80, v8, vm0, $0xb8;
	[tilespmem:$0x10080] =	vst v63  }
0x3e: {  	s13 =	simm.s32 $0x880;
	s12 =	sadd.s32 $0x40, s10  }
0x3f: {  	[hbm4b:s12+s1] =	stream.indirect_vreg.scatter [tilespmem:s13], [sflag:$0x2], $0x80, v8, vm0, $0xb8;
	[tilespmem:$0x10080] =	vst v63  }
0x40: {  	s14 =	simm.s32 $0x1080;
	s13 =	sadd.s32 $0x80, s10  }
0x41: {  	[hbm4b:s13+s1] =	stream.indirect_vreg.scatter [tilespmem:s14], [sflag:$0x2], $0x80, v8, vm0, $0xb8;
	[tilespmem:$0x10080] =	vst v63  }
0x42: {  	s15 =	simm.s32 $0x1880;
	s14 =	sadd.s32 $0xC0, s10  }
0x43: {  	[hbm4b:s14+s1] =	stream.indirect_vreg.scatter [tilespmem:s15], [sflag:$0x2], $0x80, v8, vm0, $0xb8;
	[tilespmem:$0x10080] =	vst v63  }
0x44: {  	s16 =	simm.s32 $0x2080;
	s15 =	sadd.s32 $0x100, s10  }
0x45: {  	[hbm4b:s15+s1] =	stream.indirect_vreg.scatter [tilespmem:s16], [sflag:$0x2], $0x80, v8, vm0, $0xb8;
	[tilespmem:$0x10080] =	vst v63  }
0x46: {  	s17 =	simm.s32 $0x2880;
	v9 =	vperm.xlane v9, v7;
	s9 =	sadd.s32 $0x140, s10  }
0x47: {  	[hbm4b:s9+s1] =	stream.indirect_vreg.scatter [tilespmem:s17], [sflag:$0x2], $0x80, v8, vm0, $0xb8;
	[tilespmem:$0x10080] =	vst v63  }
0x48: {  	s23 =	simm.s32 $0x3080;
	v9 =	vadd.s32 v6, v9;
	s16 =	sadd.s32 $0x180, s10  }
0x49: {  	[hbm4b:s16+s1] =	stream.indirect_vreg.scatter [tilespmem:s23], [sflag:$0x2], $0x80, v8, vm0, $0xb8;
	[tilespmem:$0x10080] =	vst v63  }
0x4a: {  	s19 =	simm.s32 $0x3880;
	s17 =	sadd.s32 $0x1C0, s10  }
0x4b: {  	[hbm4b:s17+s1] =	stream.indirect_vreg.scatter [tilespmem:s19], [sflag:$0x2], $0x80, v8, vm0, $0xb8;
	[tilespmem:$0x10080] =	vst v63  }
0x4c: {  	s18 =	simm.s32 $0x4080  }
0x4d: {  	[hbm4b:s10+s1] =	stream.indirect_vreg.scatter [tilespmem:s18], [sflag:$0x2], $0x80, v9, vm0, $0xb8;
	[tilespmem:$0x10080] =	vst v63  }
0x4e: {  	s21 =	simm.s32 $0x4880  }
0x4f: {  	[hbm4b:s12+s1] =	stream.indirect_vreg.scatter [tilespmem:s21], [sflag:$0x2], $0x80, v9, vm0, $0xb8;
	[tilespmem:$0x10080] =	vst v63  }
0x50: {  	s20 =	simm.s32 $0x5080  }
0x51: {  	[hbm4b:s13+s1] =	stream.indirect_vreg.scatter [tilespmem:s20], [sflag:$0x2], $0x80, v9, vm0, $0xb8;
	[tilespmem:$0x10080] =	vst v63  }
0x52: {  	s24 =	simm.s32 $0x5880  }
0x53: {  	[hbm4b:s14+s1] =	stream.indirect_vreg.scatter [tilespmem:s24], [sflag:$0x2], $0x80, v9, vm0, $0xb8;
	[tilespmem:$0x10080] =	vst v63  }
0x54: {  	s22 =	simm.s32 $0x6080  }
0x55: {  	[hbm4b:s15+s1] =	stream.indirect_vreg.scatter [tilespmem:s22], [sflag:$0x2], $0x80, v9, vm0, $0xb8;
	[tilespmem:$0x10080] =	vst v63  }
0x56: {  	s26 =	simm.s32 $0x6880  }
0x57: {  	[hbm4b:s9+s1] =	stream.indirect_vreg.scatter [tilespmem:s26], [sflag:$0x2], $0x80, v9, vm0, $0xb8;
	[tilespmem:$0x10080] =	vst v63  }
0x58: {  	s7 =	simm.s32 $0x7080  }
0x59: {  	[hbm4b:s16+s1] =	stream.indirect_vreg.scatter [tilespmem:s7], [sflag:$0x2], $0x80, v9, vm0, $0xb8;
	[tilespmem:$0x10080] =	vst v63  }
0x5a: {  	s25 =	simm.s32 $0x7880;
	[dreg:$0xd] =	wrdreg s10;
	s10 =	sor.u32 $0x2000, s28  }
0x5b: {  	[hbm4b:s17+s1] =	stream.indirect_vreg.scatter [tilespmem:s25], [sflag:$0x2], $0x80, v9, vm0, $0xb8;
	[tilespmem:$0x10080] =	vst v63  }
0x5c: {  	s19 =	simm.s32 $0x8080;
	s2 =	sadd.s32 s31, s10  }
0x5d: {  	[tilespmem:s19], [sflag:$0x1] =	stream.indirect_vreg.gather [hbm4b:s2+s1], $0x80, v10, vm0, $0xb8;
	[tilespmem:$0x10080] =	vst v63  }
0x5e: {  	[dreg:$0xe] =	wrdreg s12;
	s5 =	sadd.s32 $0x40, s2;
	s20 =	simm.s32 $0x8880  }
0x5f: {  	[tilespmem:s20], [sflag:$0x1] =	stream.indirect_vreg.gather [hbm4b:s5+s1], $0x80, v10, vm0, $0xb8;
	[tilespmem:$0x10080] =	vst v63  }
0x60: {  	[dreg:$0x12] =	wrdreg s9;
	s21 =	simm.s32 $0x9080;
	s6 =	sadd.s32 $0x80, s2  }
0x61: {  	[tilespmem:s21], [sflag:$0x1] =	stream.indirect_vreg.gather [hbm4b:s6+s1], $0x80, v10, vm0, $0xb8;
	[tilespmem:$0x10080] =	vst v63  }
0x62: {  	[dreg:$0xf] =	wrdreg s13;
	s8 =	sadd.s32 $0xC0, s2;
	s22 =	simm.s32 $0x9880  }
0x63: {  	[tilespmem:s22], [sflag:$0x1] =	stream.indirect_vreg.gather [hbm4b:s8+s1], $0x80, v10, vm0, $0xb8;
	[tilespmem:$0x10080] =	vst v63  }
0x64: {  	[dreg:$0x10] =	wrdreg s14;
	s23 =	simm.s32 $0xA080;
	s12 =	sadd.s32 $0x100, s2  }
0x65: {  	[tilespmem:s23], [sflag:$0x1] =	stream.indirect_vreg.gather [hbm4b:s12+s1], $0x80, v10, vm0, $0xb8;
	[tilespmem:$0x10080] =	vst v63  }
0x66: {  	[dreg:$0x11] =	wrdreg s15;
	s4 =	sadd.s32 $0x140, s2;
	s24 =	simm.s32 $0xA880  }
0x67: {  	[tilespmem:s24], [sflag:$0x1] =	stream.indirect_vreg.gather [hbm4b:s4+s1], $0x80, v10, vm0, $0xb8;
	[tilespmem:$0x10080] =	vst v63  }
0x68: {  	[dreg:$0x13] =	wrdreg s16;
	s3 =	sadd.s32 $0x180, s2;
	s25 =	simm.s32 $0xB080  }
0x69: {  	[tilespmem:s25], [sflag:$0x1] =	stream.indirect_vreg.gather [hbm4b:s3+s1], $0x80, v10, vm0, $0xb8;
	[tilespmem:$0x10080] =	vst v63  }
0x6a: {  	[dreg:$0x14] =	wrdreg s17;
	s0 =	sadd.s32 $0x1C0, s2;
	s26 =	simm.s32 $0xB880  }
0x6b: {  	[tilespmem:s26], [sflag:$0x1] =	stream.indirect_vreg.gather [hbm4b:s0+s1], $0x80, v10, vm0, $0xb8;
	[tilespmem:$0x10080] =	vst v63  }
0x6c: {  	[dreg:$0x15] =	wrdreg s2;
	s7 =	simm.s32 $0xC080  }
0x6d: {  	[tilespmem:s7], [sflag:$0x1] =	stream.indirect_vreg.gather [hbm4b:s2+s1], $0x80, v13, vm0, $0xb8;
	[tilespmem:$0x10080] =	vst v63  }
0x6e: {  	[dreg:$0x16] =	wrdreg s5;
	s20 =	simm.s32 $0xC880  }
0x6f: {  	[tilespmem:s20], [sflag:$0x1] =	stream.indirect_vreg.gather [hbm4b:s5+s1], $0x80, v13, vm0, $0xb8;
	[tilespmem:$0x10080] =	vst v63  }
0x70: {  	[dreg:$0x17] =	wrdreg s6;
	s5 =	simm.s32 $0xD080  }
0x71: {  	[tilespmem:s5], [sflag:$0x1] =	stream.indirect_vreg.gather [hbm4b:s6+s1], $0x80, v13, vm0, $0xb8;
	[tilespmem:$0x10080] =	vst v63  }
0x72: {  	[dreg:$0x18] =	wrdreg s8;
	s22 =	simm.s32 $0xD880  }
0x73: {  	[tilespmem:s22], [sflag:$0x1] =	stream.indirect_vreg.gather [hbm4b:s8+s1], $0x80, v13, vm0, $0xb8;
	[tilespmem:$0x10080] =	vst v63  }
0x74: {  	[dreg:$0x19] =	wrdreg s12;
	s24 =	simm.s32 $0xE080  }
0x75: {  	[tilespmem:s24], [sflag:$0x1] =	stream.indirect_vreg.gather [hbm4b:s12+s1], $0x80, v13, vm0, $0xb8;
	[tilespmem:$0x10080] =	vst v63  }
0x76: {  	[dreg:$0x1a] =	wrdreg s4;
	s26 =	simm.s32 $0xE880  }
0x77: {  	[tilespmem:s26], [sflag:$0x1] =	stream.indirect_vreg.gather [hbm4b:s4+s1], $0x80, v13, vm0, $0xb8;
	[tilespmem:$0x10080] =	vst v63  }
0x78: {  	[dreg:$0x1b] =	wrdreg s3;
	s12 =	simm.s32 $0xF080  }
0x79: {  	[tilespmem:s12], [sflag:$0x1] =	stream.indirect_vreg.gather [hbm4b:s3+s1], $0x80, v13, vm0, $0xb8;
	[tilespmem:$0x10080] =	vst v63  }
0x7a: {  	[dreg:$0x1c] =	wrdreg s0;
	s26 =	simm.s32 $0xF880  }
0x7b: {  	[tilespmem:s26], [sflag:$0x1] =	stream.indirect_vreg.gather [hbm4b:s0+s1], $0x80, v13, vm0, $0xb8;
	[tilespmem:$0x10080] =	vst v63  }
0x7c: {  	_ =	swait.ge [sflag:s29], $0x8000  }
0x7d: {  	[sflag:s29] =	ssyncset.done $0x0  }
0x7e: {  	s9 =	simm.s32 $0x8080;
	s7 =	sadd.s32 s30, s10;
	[sflag:s29] =	ssyncadd.s32 $0xFFFF8000  }
0x7f: {  	[hbm4b:s7+s1] =	stream.indirect_vreg.scatter [tilespmem:s9], [sflag:$0x2], $0x80, v8, vm0, $0xb8;
	[tilespmem:$0x10080] =	vst v63  }
0x80: {  	s11 =	simm.s32 $0x8880;
	s10 =	sadd.s32 $0x40, s7  }
0x81: {  	[hbm4b:s10+s1] =	stream.indirect_vreg.scatter [tilespmem:s11], [sflag:$0x2], $0x80, v8, vm0, $0xb8;
	[tilespmem:$0x10080] =	vst v63  }
0x82: {  	s13 =	simm.s32 $0x9080;
	s11 =	sadd.s32 $0x80, s7  }
0x83: {  	[hbm4b:s11+s1] =	stream.indirect_vreg.scatter [tilespmem:s13], [sflag:$0x2], $0x80, v8, vm0, $0xb8;
	[tilespmem:$0x10080] =	vst v63  }
0x84: {  	s15 =	simm.s32 $0x9880;
	s13 =	sadd.s32 $0xC0, s7  }
0x85: {  	[hbm4b:s13+s1] =	stream.indirect_vreg.scatter [tilespmem:s15], [sflag:$0x2], $0x80, v8, vm0, $0xb8;
	[tilespmem:$0x10080] =	vst v63  }
0x86: {  	s16 =	simm.s32 $0xA080;
	s15 =	sadd.s32 $0x100, s7  }
0x87: {  	[hbm4b:s15+s1] =	stream.indirect_vreg.scatter [tilespmem:s16], [sflag:$0x2], $0x80, v8, vm0, $0xb8;
	[tilespmem:$0x10080] =	vst v63  }
0x88: {  	s17 =	simm.s32 $0xA880;
	s16 =	sadd.s32 $0x140, s7  }
0x89: {  	[hbm4b:s16+s1] =	stream.indirect_vreg.scatter [tilespmem:s17], [sflag:$0x2], $0x80, v8, vm0, $0xb8;
	[tilespmem:$0x10080] =	vst v63  }
0x8a: {  	s18 =	simm.s32 $0xB080;
	s17 =	sadd.s32 $0x180, s7  }
0x8b: {  	[hbm4b:s17+s1] =	stream.indirect_vreg.scatter [tilespmem:s18], [sflag:$0x2], $0x80, v8, vm0, $0xb8;
	[tilespmem:$0x10080] =	vst v63  }
0x8c: {  	s14 =	simm.s32 $0xB880;
	s26 =	sadd.s32 $0x1C0, s7  }
0x8d: {  	[hbm4b:s26+s1] =	stream.indirect_vreg.scatter [tilespmem:s14], [sflag:$0x2], $0x80, v8, vm0, $0xb8;
	[tilespmem:$0x10080] =	vst v63  }
0x8e: {  	s19 =	simm.s32 $0xC080;
	[dreg:$0x1d] =	wrdreg s7  }
0x8f: {  	[hbm4b:s7+s1] =	stream.indirect_vreg.scatter [tilespmem:s19], [sflag:$0x2], $0x80, v9, vm0, $0xb8;
	[tilespmem:$0x10080] =	vst v63  }
0x90: {  	s21 =	simm.s32 $0xC880;
	[dreg:$0x1e] =	wrdreg s10  }
0x91: {  	[hbm4b:s10+s1] =	stream.indirect_vreg.scatter [tilespmem:s21], [sflag:$0x2], $0x80, v9, vm0, $0xb8;
	[tilespmem:$0x10080] =	vst v63  }
0x92: {  	s6 =	simm.s32 $0xD080;
	[smem:$0x79C] =	sst s26  }
0x93: {  	[hbm4b:s11+s1] =	stream.indirect_vreg.scatter [tilespmem:s6], [sflag:$0x2], $0x80, v9, vm0, $0xb8;
	[tilespmem:$0x10080] =	vst v63  }
0x94: {  	s23 =	simm.s32 $0xD880;
	[dreg:$0x1f] =	wrdreg s11  }
0x95: {  	[hbm4b:s13+s1] =	stream.indirect_vreg.scatter [tilespmem:s23], [sflag:$0x2], $0x80, v9, vm0, $0xb8;
	[tilespmem:$0x10080] =	vst v63  }
0x96: {  	s25 =	simm.s32 $0xE080;
	[smem:$0x798] =	sst s13  }
0x97: {  	[hbm4b:s15+s1] =	stream.indirect_vreg.scatter [tilespmem:s25], [sflag:$0x2], $0x80, v9, vm0, $0xb8;
	[tilespmem:$0x10080] =	vst v63  }
0x98: {  	s4 =	simm.s32 $0xE880;
	[smem:$0x799] =	sst s15  }
0x99: {  	[hbm4b:s16+s1] =	stream.indirect_vreg.scatter [tilespmem:s4], [sflag:$0x2], $0x80, v9, vm0, $0xb8;
	[tilespmem:$0x10080] =	vst v63  }
0x9a: {  	s24 =	simm.s32 $0xF080;
	[smem:$0x79A] =	sst s16  }
0x9b: {  	[hbm4b:s17+s1] =	stream.indirect_vreg.scatter [tilespmem:s24], [sflag:$0x2], $0x80, v9, vm0, $0xb8;
	[tilespmem:$0x10080] =	vst v63  }
0x9c: {  	s2 =	simm.s32 $0xF880;
	[smem:$0x79B] =	sst s17;
	s10 =	simm.s32 $0x2  }
0x9d: {  	[hbm4b:s26+s1] =	stream.indirect_vreg.scatter [tilespmem:s2], [sflag:$0x2], $0x80, v9, vm0, $0xb8;
	[tilespmem:$0x10080] =	vst v63  }
0x9e: {  	_ =	swait.ge [sflag:s10], $0x8000  }
0x9f: {  	s12 =	sor.u32 $0x4000, s28;
	[sflag:s10] =	ssyncset.done $0x0  }
0xa0: {  	s19 =	simm.s32 $0x80;
	s4 =	sadd.s32 s31, s12;
	[sflag:s10] =	ssyncadd.s32 $0xFFFF8000  }
0xa1: {  	[tilespmem:s19], [sflag:$0x1] =	stream.indirect_vreg.gather [hbm4b:s4+s1], $0x80, v10, vm0, $0xb8;
	[tilespmem:$0x10080] =	vst v63  }
0xa2: {  	s20 =	simm.s32 $0x880;
	s5 =	sadd.s32 $0x40, s4  }
0xa3: {  	[tilespmem:s20], [sflag:$0x1] =	stream.indirect_vreg.gather [hbm4b:s5+s1], $0x80, v10, vm0, $0xb8;
	[tilespmem:$0x10080] =	vst v63  }
0xa4: {  	s21 =	simm.s32 $0x1080;
	s6 =	sadd.s32 $0x80, s4  }
0xa5: {  	[tilespmem:s21], [sflag:$0x1] =	stream.indirect_vreg.gather [hbm4b:s6+s1], $0x80, v10, vm0, $0xb8;
	[tilespmem:$0x10080] =	vst v63  }
0xa6: {  	s22 =	simm.s32 $0x1880;
	s9 =	sadd.s32 $0xC0, s4  }
0xa7: {  	[tilespmem:s22], [sflag:$0x1] =	stream.indirect_vreg.gather [hbm4b:s9+s1], $0x80, v10, vm0, $0xb8;
	[tilespmem:$0x10080] =	vst v63  }
0xa8: {  	s23 =	simm.s32 $0x2080;
	s11 =	sadd.s32 $0x100, s4  }
0xa9: {  	[tilespmem:s23], [sflag:$0x1] =	stream.indirect_vreg.gather [hbm4b:s11+s1], $0x80, v10, vm0, $0xb8;
	[tilespmem:$0x10080] =	vst v63  }
0xaa: {  	s25 =	simm.s32 $0x2880;
	s24 =	sadd.s32 $0x140, s4  }
0xab: {  	[tilespmem:s25], [sflag:$0x1] =	stream.indirect_vreg.gather [hbm4b:s24+s1], $0x80, v10, vm0, $0xb8;
	[tilespmem:$0x10080] =	vst v63  }
0xac: {  	s15 =	simm.s32 $0x3080;
	s2 =	sadd.s32 $0x180, s4  }
0xad: {  	[tilespmem:s15], [sflag:$0x1] =	stream.indirect_vreg.gather [hbm4b:s2+s1], $0x80, v10, vm0, $0xb8;
	[tilespmem:$0x10080] =	vst v63  }
0xae: {  	s16 =	sadd.s32 $0x1C0, s4;
	s26 =	simm.s32 $0x3880  }
0xaf: {  	[tilespmem:s26], [sflag:$0x1] =	stream.indirect_vreg.gather [hbm4b:s16+s1], $0x80, v10, vm0, $0xb8;
	[tilespmem:$0x10080] =	vst v63  }
0xb0: {  	s17 =	simm.s32 $0x4080;
	[smem:$0x79D] =	sst s4  }
0xb1: {  	[tilespmem:s17], [sflag:$0x1] =	stream.indirect_vreg.gather [hbm4b:s4+s1], $0x80, v13, vm0, $0xb8;
	[tilespmem:$0x10080] =	vst v63  }
0xb2: {  	s18 =	simm.s32 $0x4880;
	[smem:$0x79E] =	sst s5  }
0xb3: {  	[tilespmem:s18], [sflag:$0x1] =	stream.indirect_vreg.gather [hbm4b:s5+s1], $0x80, v13, vm0, $0xb8;
	[tilespmem:$0x10080] =	vst v63  }
0xb4: {  	s13 =	simm.s32 $0x5080;
	[smem:$0x79F] =	sst s6  }
0xb5: {  	[tilespmem:s13], [sflag:$0x1] =	stream.indirect_vreg.gather [hbm4b:s6+s1], $0x80, v13, vm0, $0xb8;
	[tilespmem:$0x10080] =	vst v63  }
0xb6: {  	s14 =	simm.s32 $0x5880;
	[smem:$0x7A0] =	sst s9  }
0xb7: {  	[tilespmem:s14], [sflag:$0x1] =	stream.indirect_vreg.gather [hbm4b:s9+s1], $0x80, v13, vm0, $0xb8;
	[tilespmem:$0x10080] =	vst v63  }
0xb8: {  	[smem:$0x7A1] =	sst s11;
	s9 =	simm.s32 $0x6080  }
0xb9: {  	[tilespmem:s9], [sflag:$0x1] =	stream.indirect_vreg.gather [hbm4b:s11+s1], $0x80, v13, vm0, $0xb8;
	[tilespmem:$0x10080] =	vst v63  }
0xba: {  	[smem:$0x7A2] =	sst s24;
	s11 =	simm.s32 $0x6880  }
0xbb: {  	[tilespmem:s11], [sflag:$0x1] =	stream.indirect_vreg.gather [hbm4b:s24+s1], $0x80, v13, vm0, $0xb8;
	[tilespmem:$0x10080] =	vst v63  }
0xbc: {  	s7 =	simm.s32 $0x7080;
	[smem:$0x7A3] =	sst s2  }
0xbd: {  	[tilespmem:s7], [sflag:$0x1] =	stream.indirect_vreg.gather [hbm4b:s2+s1], $0x80, v13, vm0, $0xb8;
	[tilespmem:$0x10080] =	vst v63  }
0xbe: {  	s8 =	simm.s32 $0x7880;
	[smem:$0x7A4] =	sst s16  }
0xbf: {  	[tilespmem:s8], [sflag:$0x1] =	stream.indirect_vreg.gather [hbm4b:s16+s1], $0x80, v13, vm0, $0xb8;
	[tilespmem:$0x10080] =	vst v63  }
0xc0: {  	_ =	swait.ge [sflag:s29], $0x8000  }
0xc1: {  	[sflag:s29] =	ssyncset.done $0x0  }
0xc2: {  	s12 =	sadd.s32 s30, s12;
	[sflag:s29] =	ssyncadd.s32 $0xFFFF8000  }
0xc3: {  	[hbm4b:s12+s1] =	stream.indirect_vreg.scatter [tilespmem:s19], [sflag:$0x2], $0x80, v8, vm0, $0xb8;
	[tilespmem:$0x10080] =	vst v63  }
0xc4: {  	s19 =	sadd.s32 $0x40, s12  }
0xc5: {  	[hbm4b:s19+s1] =	stream.indirect_vreg.scatter [tilespmem:s20], [sflag:$0x2], $0x80, v8, vm0, $0xb8;
	[tilespmem:$0x10080] =	vst v63  }
0xc6: {  	s20 =	sadd.s32 $0x80, s12  }
0xc7: {  	[hbm4b:s20+s1] =	stream.indirect_vreg.scatter [tilespmem:s21], [sflag:$0x2], $0x80, v8, vm0, $0xb8;
	[tilespmem:$0x10080] =	vst v63  }
0xc8: {  	s21 =	sadd.s32 $0xC0, s12  }
0xc9: {  	[hbm4b:s21+s1] =	stream.indirect_vreg.scatter [tilespmem:s22], [sflag:$0x2], $0x80, v8, vm0, $0xb8;
	[tilespmem:$0x10080] =	vst v63  }
0xca: {  	s22 =	sadd.s32 $0x100, s12  }
0xcb: {  	[hbm4b:s22+s1] =	stream.indirect_vreg.scatter [tilespmem:s23], [sflag:$0x2], $0x80, v8, vm0, $0xb8;
	[tilespmem:$0x10080] =	vst v63  }
0xcc: {  	s23 =	sadd.s32 $0x140, s12  }
0xcd: {  	[hbm4b:s23+s1] =	stream.indirect_vreg.scatter [tilespmem:s25], [sflag:$0x2], $0x80, v8, vm0, $0xb8;
	[tilespmem:$0x10080] =	vst v63  }
0xce: {  	s24 =	sadd.s32 $0x180, s12  }
0xcf: {  	[hbm4b:s24+s1] =	stream.indirect_vreg.scatter [tilespmem:s15], [sflag:$0x2], $0x80, v8, vm0, $0xb8;
	[tilespmem:$0x10080] =	vst v63  }
0xd0: {  	s25 =	sadd.s32 $0x1C0, s12  }
0xd1: {  	[hbm4b:s25+s1] =	stream.indirect_vreg.scatter [tilespmem:s26], [sflag:$0x2], $0x80, v8, vm0, $0xb8;
	[tilespmem:$0x10080] =	vst v63  }
0xd2: {  	[smem:$0x7A5] =	sst s12  }
0xd3: {  	[hbm4b:s12+s1] =	stream.indirect_vreg.scatter [tilespmem:s17], [sflag:$0x2], $0x80, v9, vm0, $0xb8;
	[tilespmem:$0x10080] =	vst v63  }
0xd4: {  	[smem:$0x7AB] =	sst s24  }
0xd5: {  	[hbm4b:s19+s1] =	stream.indirect_vreg.scatter [tilespmem:s18], [sflag:$0x2], $0x80, v9, vm0, $0xb8;
	[tilespmem:$0x10080] =	vst v63  }
0xd6: {  	[smem:$0x7A6] =	sst s19  }
0xd7: {  	[hbm4b:s20+s1] =	stream.indirect_vreg.scatter [tilespmem:s13], [sflag:$0x2], $0x80, v9, vm0, $0xb8;
	[tilespmem:$0x10080] =	vst v63  }
0xd8: {  	[smem:$0x7A7] =	sst s20  }
0xd9: {  	[hbm4b:s21+s1] =	stream.indirect_vreg.scatter [tilespmem:s14], [sflag:$0x2], $0x80, v9, vm0, $0xb8;
	[tilespmem:$0x10080] =	vst v63  }
0xda: {  	[smem:$0x7A8] =	sst s21  }
0xdb: {  	[hbm4b:s22+s1] =	stream.indirect_vreg.scatter [tilespmem:s9], [sflag:$0x2], $0x80, v9, vm0, $0xb8;
	[tilespmem:$0x10080] =	vst v63  }
0xdc: {  	[smem:$0x7A9] =	sst s22  }
0xdd: {  	[hbm4b:s23+s1] =	stream.indirect_vreg.scatter [tilespmem:s11], [sflag:$0x2], $0x80, v9, vm0, $0xb8;
	[tilespmem:$0x10080] =	vst v63  }
0xde: {  	[smem:$0x7AA] =	sst s23  }
0xdf: {  	[hbm4b:s24+s1] =	stream.indirect_vreg.scatter [tilespmem:s7], [sflag:$0x2], $0x80, v9, vm0, $0xb8;
	[tilespmem:$0x10080] =	vst v63  }
0xe0: {  	[smem:$0x7AC] =	sst s25  }
0xe1: {  	[hbm4b:s25+s1] =	stream.indirect_vreg.scatter [tilespmem:s8], [sflag:$0x2], $0x80, v9, vm0, $0xb8;
	[tilespmem:$0x10080] =	vst v63  }
0xe2: {  	_ =	swait.ge [sflag:s10], $0x8000  }
0xe3: {  	s12 =	sor.u32 $0x6000, s28;
	[sflag:s10] =	ssyncset.done $0x0  }
0xe4: {  	s3 =	sadd.s32 s31, s12;
	s13 =	simm.s32 $0x8080;
	[sflag:s10] =	ssyncadd.s32 $0xFFFF8000  }
0xe5: {  	[tilespmem:s13], [sflag:$0x1] =	stream.indirect_vreg.gather [hbm4b:s3+s1], $0x80, v10, vm0, $0xb8;
	[tilespmem:$0x10080] =	vst v63  }
0xe6: {  	s16 =	simm.s32 $0x8880;
	s4 =	sadd.s32 $0x40, s3  }
0xe7: {  	[tilespmem:s16], [sflag:$0x1] =	stream.indirect_vreg.gather [hbm4b:s4+s1], $0x80, v10, vm0, $0xb8;
	[tilespmem:$0x10080] =	vst v63  }
0xe8: {  	s17 =	simm.s32 $0x9080;
	s5 =	sadd.s32 $0x80, s3  }
0xe9: {  	[tilespmem:s17], [sflag:$0x1] =	stream.indirect_vreg.gather [hbm4b:s5+s1], $0x80, v10, vm0, $0xb8;
	[tilespmem:$0x10080] =	vst v63  }
0xea: {  	s6 =	sadd.s32 $0xC0, s3;
	s18 =	simm.s32 $0x9880  }
0xeb: {  	[tilespmem:s18], [sflag:$0x1] =	stream.indirect_vreg.gather [hbm4b:s6+s1], $0x80, v10, vm0, $0xb8;
	[tilespmem:$0x10080] =	vst v63  }
0xec: {  	s19 =	simm.s32 $0xA080;
	s7 =	sadd.s32 $0x100, s3  }
0xed: {  	[tilespmem:s19], [sflag:$0x1] =	stream.indirect_vreg.gather [hbm4b:s7+s1], $0x80, v10, vm0, $0xb8;
	[tilespmem:$0x10080] =	vst v63  }
0xee: {  	s20 =	sadd.s32 $0x140, s3;
	s22 =	simm.s32 $0xA880  }
0xef: {  	[tilespmem:s22], [sflag:$0x1] =	stream.indirect_vreg.gather [hbm4b:s20+s1], $0x80, v10, vm0, $0xb8;
	[tilespmem:$0x10080] =	vst v63  }
0xf0: {  	s26 =	sadd.s32 $0x180, s3;
	s9 =	simm.s32 $0xB080  }
0xf1: {  	[tilespmem:s9], [sflag:$0x1] =	stream.indirect_vreg.gather [hbm4b:s26+s1], $0x80, v10, vm0, $0xb8;
	[tilespmem:$0x10080] =	vst v63  }
0xf2: {  	s11 =	simm.s32 $0xB880;
	s8 =	sadd.s32 $0x1C0, s3  }
0xf3: {  	[tilespmem:s11], [sflag:$0x1] =	stream.indirect_vreg.gather [hbm4b:s8+s1], $0x80, v10, vm0, $0xb8;
	[tilespmem:$0x10080] =	vst v63  }
0xf4: {  	s21 =	simm.s32 $0xC080;
	[smem:$0x7AD] =	sst s3  }
0xf5: {  	[tilespmem:s21], [sflag:$0x1] =	stream.indirect_vreg.gather [hbm4b:s3+s1], $0x80, v13, vm0, $0xb8;
	[tilespmem:$0x10080] =	vst v63  }
0xf6: {  	s14 =	simm.s32 $0xC880;
	[smem:$0x7AE] =	sst s4  }
0xf7: {  	[tilespmem:s14], [sflag:$0x1] =	stream.indirect_vreg.gather [hbm4b:s4+s1], $0x80, v13, vm0, $0xb8;
	[tilespmem:$0x10080] =	vst v63  }
0xf8: {  	s15 =	simm.s32 $0xD080;
	[smem:$0x7AF] =	sst s5  }
0xf9: {  	[tilespmem:s15], [sflag:$0x1] =	stream.indirect_vreg.gather [hbm4b:s5+s1], $0x80, v13, vm0, $0xb8;
	[tilespmem:$0x10080] =	vst v63  }
0xfa: {  	s23 =	simm.s32 $0xD880;
	[smem:$0x7B0] =	sst s6  }
0xfb: {  	[tilespmem:s23], [sflag:$0x1] =	stream.indirect_vreg.gather [hbm4b:s6+s1], $0x80, v13, vm0, $0xb8;
	[tilespmem:$0x10080] =	vst v63  }
0xfc: {  	s24 =	simm.s32 $0xE080;
	[smem:$0x7B1] =	sst s7  }
0xfd: {  	[tilespmem:s24], [sflag:$0x1] =	stream.indirect_vreg.gather [hbm4b:s7+s1], $0x80, v13, vm0, $0xb8;
	[tilespmem:$0x10080] =	vst v63  }
0xfe: {  	s25 =	simm.s32 $0xE880;
	[smem:$0x7B2] =	sst s20  }
0xff: {  	[tilespmem:s25], [sflag:$0x1] =	stream.indirect_vreg.gather [hbm4b:s20+s1], $0x80, v13, vm0, $0xb8;
	[tilespmem:$0x10080] =	vst v63  }
0x100: {  	[smem:$0x7B3] =	sst s26;
	s20 =	simm.s32 $0xF080  }
0x101: {  	[tilespmem:s20], [sflag:$0x1] =	stream.indirect_vreg.gather [hbm4b:s26+s1], $0x80, v13, vm0, $0xb8;
	[tilespmem:$0x10080] =	vst v63  }
0x102: {  	[smem:$0x7B4] =	sst s8;
	s26 =	simm.s32 $0xF880  }
0x103: {  	[tilespmem:s26], [sflag:$0x1] =	stream.indirect_vreg.gather [hbm4b:s8+s1], $0x80, v13, vm0, $0xb8;
	[tilespmem:$0x10080] =	vst v63  }
0x104: {  	_ =	swait.ge [sflag:s29], $0x8000  }
0x105: {  	[sflag:s29] =	ssyncset.done $0x0  }
0x106: {  	s8 =	sadd.s32 s30, s12;
	[sflag:s29] =	ssyncadd.s32 $0xFFFF8000  }
0x107: {  	[hbm4b:s8+s1] =	stream.indirect_vreg.scatter [tilespmem:s13], [sflag:$0x2], $0x80, v8, vm0, $0xb8;
	[tilespmem:$0x10080] =	vst v63  }
0x108: {  	s12 =	sadd.s32 $0x40, s8  }
0x109: {  	[hbm4b:s12+s1] =	stream.indirect_vreg.scatter [tilespmem:s16], [sflag:$0x2], $0x80, v8, vm0, $0xb8;
	[tilespmem:$0x10080] =	vst v63  }
0x10a: {  	s13 =	sadd.s32 $0x80, s8  }
0x10b: {  	[hbm4b:s13+s1] =	stream.indirect_vreg.scatter [tilespmem:s17], [sflag:$0x2], $0x80, v8, vm0, $0xb8;
	[tilespmem:$0x10080] =	vst v63  }
0x10c: {  	s16 =	sadd.s32 $0xC0, s8  }
0x10d: {  	[hbm4b:s16+s1] =	stream.indirect_vreg.scatter [tilespmem:s18], [sflag:$0x2], $0x80, v8, vm0, $0xb8;
	[tilespmem:$0x10080] =	vst v63  }
0x10e: {  	s17 =	sadd.s32 $0x100, s8  }
0x10f: {  	[hbm4b:s17+s1] =	stream.indirect_vreg.scatter [tilespmem:s19], [sflag:$0x2], $0x80, v8, vm0, $0xb8;
	[tilespmem:$0x10080] =	vst v63  }
0x110: {  	s18 =	sadd.s32 $0x140, s8  }
0x111: {  	[hbm4b:s18+s1] =	stream.indirect_vreg.scatter [tilespmem:s22], [sflag:$0x2], $0x80, v8, vm0, $0xb8;
	[tilespmem:$0x10080] =	vst v63  }
0x112: {  	s19 =	sadd.s32 $0x180, s8  }
0x113: {  	[hbm4b:s19+s1] =	stream.indirect_vreg.scatter [tilespmem:s9], [sflag:$0x2], $0x80, v8, vm0, $0xb8;
	[tilespmem:$0x10080] =	vst v63  }
0x114: {  	s22 =	sadd.s32 $0x1C0, s8  }
0x115: {  	[hbm4b:s22+s1] =	stream.indirect_vreg.scatter [tilespmem:s11], [sflag:$0x2], $0x80, v8, vm0, $0xb8;
	[tilespmem:$0x10080] =	vst v63  }
0x116: {  	[smem:$0x7B5] =	sst s8  }
0x117: {  	[hbm4b:s8+s1] =	stream.indirect_vreg.scatter [tilespmem:s21], [sflag:$0x2], $0x80, v9, vm0, $0xb8;
	[tilespmem:$0x10080] =	vst v63  }
0x118: {  	[smem:$0x7B6] =	sst s12  }
0x119: {  	[hbm4b:s12+s1] =	stream.indirect_vreg.scatter [tilespmem:s14], [sflag:$0x2], $0x80, v9, vm0, $0xb8;
	[tilespmem:$0x10080] =	vst v63  }
0x11a: {  	[smem:$0x7B7] =	sst s13  }
0x11b: {  	[hbm4b:s13+s1] =	stream.indirect_vreg.scatter [tilespmem:s15], [sflag:$0x2], $0x80, v9, vm0, $0xb8;
	[tilespmem:$0x10080] =	vst v63  }
0x11c: {  	[smem:$0x7B8] =	sst s16  }
0x11d: {  	[hbm4b:s16+s1] =	stream.indirect_vreg.scatter [tilespmem:s23], [sflag:$0x2], $0x80, v9, vm0, $0xb8;
	[tilespmem:$0x10080] =	vst v63  }
0x11e: {  	[smem:$0x7B9] =	sst s17  }
0x11f: {  	[hbm4b:s17+s1] =	stream.indirect_vreg.scatter [tilespmem:s24], [sflag:$0x2], $0x80, v9, vm0, $0xb8;
	[tilespmem:$0x10080] =	vst v63  }
0x120: {  	[smem:$0x7BA] =	sst s18  }
0x121: {  	[hbm4b:s18+s1] =	stream.indirect_vreg.scatter [tilespmem:s25], [sflag:$0x2], $0x80, v9, vm0, $0xb8;
	[tilespmem:$0x10080] =	vst v63  }
0x122: {  	[smem:$0x7BB] =	sst s19  }
0x123: {  	[hbm4b:s19+s1] =	stream.indirect_vreg.scatter [tilespmem:s20], [sflag:$0x2], $0x80, v9, vm0, $0xb8;
	[tilespmem:$0x10080] =	vst v63  }
0x124: {  	[smem:$0x7BC] =	sst s22  }
0x125: {  	[hbm4b:s22+s1] =	stream.indirect_vreg.scatter [tilespmem:s26], [sflag:$0x2], $0x80, v9, vm0, $0xb8;
	[tilespmem:$0x10080] =	vst v63  }
0x126: {  	_ =	swait.ge [sflag:s10], $0x8000  }
0x127: {  	s12 =	sor.u32 $0x8000, s28;
	[sflag:s10] =	ssyncset.done $0x0  }
0x128: {  	s2 =	sadd.s32 s31, s12;
	s20 =	simm.s32 $0x80;
	[sflag:s10] =	ssyncadd.s32 $0xFFFF8000  }
0x129: {  	[tilespmem:s20], [sflag:$0x1] =	stream.indirect_vreg.gather [hbm4b:s2+s1], $0x80, v10, vm0, $0xb8;
	[tilespmem:$0x10080] =	vst v63  }
0x12a: {  	s21 =	simm.s32 $0x880;
	s3 =	sadd.s32 $0x40, s2  }
0x12b: {  	[tilespmem:s21], [sflag:$0x1] =	stream.indirect_vreg.gather [hbm4b:s3+s1], $0x80, v10, vm0, $0xb8;
	[tilespmem:$0x10080] =	vst v63  }
0x12c: {  	s4 =	sadd.s32 $0x80, s2;
	s22 =	simm.s32 $0x1080  }
0x12d: {  	[tilespmem:s22], [sflag:$0x1] =	stream.indirect_vreg.gather [hbm4b:s4+s1], $0x80, v10, vm0, $0xb8;
	[tilespmem:$0x10080] =	vst v63  }
0x12e: {  	s5 =	sadd.s32 $0xC0, s2;
	s23 =	simm.s32 $0x1880  }
0x12f: {  	[tilespmem:s23], [sflag:$0x1] =	stream.indirect_vreg.gather [hbm4b:s5+s1], $0x80, v10, vm0, $0xb8;
	[tilespmem:$0x10080] =	vst v63  }
0x130: {  	s6 =	sadd.s32 $0x100, s2;
	s24 =	simm.s32 $0x2080  }
0x131: {  	[tilespmem:s24], [sflag:$0x1] =	stream.indirect_vreg.gather [hbm4b:s6+s1], $0x80, v10, vm0, $0xb8;
	[tilespmem:$0x10080] =	vst v63  }
0x132: {  	s7 =	sadd.s32 $0x140, s2;
	s25 =	simm.s32 $0x2880  }
0x133: {  	[tilespmem:s25], [sflag:$0x1] =	stream.indirect_vreg.gather [hbm4b:s7+s1], $0x80, v10, vm0, $0xb8;
	[tilespmem:$0x10080] =	vst v63  }
0x134: {  	s9 =	sadd.s32 $0x180, s2;
	s26 =	simm.s32 $0x3080  }
0x135: {  	[tilespmem:s26], [sflag:$0x1] =	stream.indirect_vreg.gather [hbm4b:s9+s1], $0x80, v10, vm0, $0xb8;
	[tilespmem:$0x10080] =	vst v63  }
0x136: {  	s8 =	sadd.s32 $0x1C0, s2;
	s16 =	simm.s32 $0x3880  }
0x137: {  	[tilespmem:s16], [sflag:$0x1] =	stream.indirect_vreg.gather [hbm4b:s8+s1], $0x80, v10, vm0, $0xb8;
	[tilespmem:$0x10080] =	vst v63  }
0x138: {  	s17 =	simm.s32 $0x4080;
	[smem:$0x7BD] =	sst s2  }
0x139: {  	[tilespmem:s17], [sflag:$0x1] =	stream.indirect_vreg.gather [hbm4b:s2+s1], $0x80, v13, vm0, $0xb8;
	[tilespmem:$0x10080] =	vst v63  }
0x13a: {  	s18 =	simm.s32 $0x4880;
	[smem:$0x7BE] =	sst s3  }
0x13b: {  	[tilespmem:s18], [sflag:$0x1] =	stream.indirect_vreg.gather [hbm4b:s3+s1], $0x80, v13, vm0, $0xb8;
	[tilespmem:$0x10080] =	vst v63  }
0x13c: {  	s19 =	simm.s32 $0x5080;
	[smem:$0x7BF] =	sst s4  }
0x13d: {  	[tilespmem:s19], [sflag:$0x1] =	stream.indirect_vreg.gather [hbm4b:s4+s1], $0x80, v13, vm0, $0xb8;
	[tilespmem:$0x10080] =	vst v63  }
0x13e: {  	s15 =	simm.s32 $0x5880;
	[smem:$0x7C0] =	sst s5  }
0x13f: {  	[tilespmem:s15], [sflag:$0x1] =	stream.indirect_vreg.gather [hbm4b:s5+s1], $0x80, v13, vm0, $0xb8;
	[tilespmem:$0x10080] =	vst v63  }
0x140: {  	s14 =	simm.s32 $0x6080;
	[smem:$0x7C1] =	sst s6  }
0x141: {  	[tilespmem:s14], [sflag:$0x1] =	stream.indirect_vreg.gather [hbm4b:s6+s1], $0x80, v13, vm0, $0xb8;
	[tilespmem:$0x10080] =	vst v63  }
0x142: {  	s13 =	simm.s32 $0x6880;
	[smem:$0x7C2] =	sst s7  }
0x143: {  	[tilespmem:s13], [sflag:$0x1] =	stream.indirect_vreg.gather [hbm4b:s7+s1], $0x80, v13, vm0, $0xb8;
	[tilespmem:$0x10080] =	vst v63  }
0x144: {  	s11 =	simm.s32 $0x7080;
	[smem:$0x7C3] =	sst s9  }
0x145: {  	[tilespmem:s11], [sflag:$0x1] =	stream.indirect_vreg.gather [hbm4b:s9+s1], $0x80, v13, vm0, $0xb8;
	[tilespmem:$0x10080] =	vst v63  }
0x146: {  	[smem:$0x7C4] =	sst s8;
	s9 =	simm.s32 $0x7880  }
0x147: {  	[tilespmem:s9], [sflag:$0x1] =	stream.indirect_vreg.gather [hbm4b:s8+s1], $0x80, v13, vm0, $0xb8;
	[tilespmem:$0x10080] =	vst v63  }
0x148: {  	_ =	swait.ge [sflag:s29], $0x8000  }
0x149: {  	[sflag:s29] =	ssyncset.done $0x0  }
0x14a: {  	s12 =	sadd.s32 s30, s12;
	[sflag:s29] =	ssyncadd.s32 $0xFFFF8000  }
0x14b: {  	[hbm4b:s12+s1] =	stream.indirect_vreg.scatter [tilespmem:s20], [sflag:$0x2], $0x80, v8, vm0, $0xb8;
	[tilespmem:$0x10080] =	vst v63  }
0x14c: {  	s20 =	sadd.s32 $0x40, s12  }
0x14d: {  	[hbm4b:s20+s1] =	stream.indirect_vreg.scatter [tilespmem:s21], [sflag:$0x2], $0x80, v8, vm0, $0xb8;
	[tilespmem:$0x10080] =	vst v63  }
0x14e: {  	s21 =	sadd.s32 $0x80, s12  }
0x14f: {  	[hbm4b:s21+s1] =	stream.indirect_vreg.scatter [tilespmem:s22], [sflag:$0x2], $0x80, v8, vm0, $0xb8;
	[tilespmem:$0x10080] =	vst v63  }
0x150: {  	s22 =	sadd.s32 $0xC0, s12  }
0x151: {  	[hbm4b:s22+s1] =	stream.indirect_vreg.scatter [tilespmem:s23], [sflag:$0x2], $0x80, v8, vm0, $0xb8;
	[tilespmem:$0x10080] =	vst v63  }
0x152: {  	s23 =	sadd.s32 $0x100, s12  }
0x153: {  	[hbm4b:s23+s1] =	stream.indirect_vreg.scatter [tilespmem:s24], [sflag:$0x2], $0x80, v8, vm0, $0xb8;
	[tilespmem:$0x10080] =	vst v63  }
0x154: {  	s24 =	sadd.s32 $0x140, s12  }
0x155: {  	[hbm4b:s24+s1] =	stream.indirect_vreg.scatter [tilespmem:s25], [sflag:$0x2], $0x80, v8, vm0, $0xb8;
	[tilespmem:$0x10080] =	vst v63  }
0x156: {  	s25 =	sadd.s32 $0x180, s12  }
0x157: {  	[hbm4b:s25+s1] =	stream.indirect_vreg.scatter [tilespmem:s26], [sflag:$0x2], $0x80, v8, vm0, $0xb8;
	[tilespmem:$0x10080] =	vst v63  }
0x158: {  	s26 =	sadd.s32 $0x1C0, s12  }
0x159: {  	[hbm4b:s26+s1] =	stream.indirect_vreg.scatter [tilespmem:s16], [sflag:$0x2], $0x80, v8, vm0, $0xb8;
	[tilespmem:$0x10080] =	vst v63  }
0x15a: {  	[smem:$0x7C5] =	sst s12  }
0x15b: {  	[hbm4b:s12+s1] =	stream.indirect_vreg.scatter [tilespmem:s17], [sflag:$0x2], $0x80, v9, vm0, $0xb8;
	[tilespmem:$0x10080] =	vst v63  }
0x15c: {  	[smem:$0x7C6] =	sst s20  }
0x15d: {  	[hbm4b:s20+s1] =	stream.indirect_vreg.scatter [tilespmem:s18], [sflag:$0x2], $0x80, v9, vm0, $0xb8;
	[tilespmem:$0x10080] =	vst v63  }
0x15e: {  	[smem:$0x7C7] =	sst s21  }
0x15f: {  	[hbm4b:s21+s1] =	stream.indirect_vreg.scatter [tilespmem:s19], [sflag:$0x2], $0x80, v9, vm0, $0xb8;
	[tilespmem:$0x10080] =	vst v63  }
0x160: {  	[smem:$0x7C8] =	sst s22  }
0x161: {  	[hbm4b:s22+s1] =	stream.indirect_vreg.scatter [tilespmem:s15], [sflag:$0x2], $0x80, v9, vm0, $0xb8;
	[tilespmem:$0x10080] =	vst v63  }
0x162: {  	[smem:$0x7C9] =	sst s23  }
0x163: {  	[hbm4b:s23+s1] =	stream.indirect_vreg.scatter [tilespmem:s14], [sflag:$0x2], $0x80, v9, vm0, $0xb8;
	[tilespmem:$0x10080] =	vst v63  }
0x164: {  	[smem:$0x7CA] =	sst s24  }
0x165: {  	[hbm4b:s24+s1] =	stream.indirect_vreg.scatter [tilespmem:s13], [sflag:$0x2], $0x80, v9, vm0, $0xb8;
	[tilespmem:$0x10080] =	vst v63  }
0x166: {  	[smem:$0x7CB] =	sst s25  }
0x167: {  	[hbm4b:s25+s1] =	stream.indirect_vreg.scatter [tilespmem:s11], [sflag:$0x2], $0x80, v9, vm0, $0xb8;
	[tilespmem:$0x10080] =	vst v63  }
0x168: {  	[smem:$0x7CC] =	sst s26  }
0x169: {  	[hbm4b:s26+s1] =	stream.indirect_vreg.scatter [tilespmem:s9], [sflag:$0x2], $0x80, v9, vm0, $0xb8;
	[tilespmem:$0x10080] =	vst v63  }
0x16a: {  	_ =	swait.ge [sflag:s10], $0x8000  }
0x16b: {  	s12 =	sor.u32 $0xA000, s28;
	[sflag:s10] =	ssyncset.done $0x0  }
0x16c: {  	s3 =	sadd.s32 s31, s12;
	s14 =	simm.s32 $0x8080;
	[sflag:s10] =	ssyncadd.s32 $0xFFFF8000  }
0x16d: {  	[tilespmem:s14], [sflag:$0x1] =	stream.indirect_vreg.gather [hbm4b:s3+s1], $0x80, v10, vm0, $0xb8;
	[tilespmem:$0x10080] =	vst v63  }
0x16e: {  	s17 =	simm.s32 $0x8880;
	s4 =	sadd.s32 $0x40, s3  }
0x16f: {  	[tilespmem:s17], [sflag:$0x1] =	stream.indirect_vreg.gather [hbm4b:s4+s1], $0x80, v10, vm0, $0xb8;
	[tilespmem:$0x10080] =	vst v63  }
0x170: {  	s5 =	sadd.s32 $0x80, s3;
	s19 =	simm.s32 $0x9080  }
0x171: {  	[tilespmem:s19], [sflag:$0x1] =	stream.indirect_vreg.gather [hbm4b:s5+s1], $0x80, v10, vm0, $0xb8;
	[tilespmem:$0x10080] =	vst v63  }
0x172: {  	s6 =	sadd.s32 $0xC0, s3;
	s25 =	simm.s32 $0x9880  }
0x173: {  	[tilespmem:s25], [sflag:$0x1] =	stream.indirect_vreg.gather [hbm4b:s6+s1], $0x80, v10, vm0, $0xb8;
	[tilespmem:$0x10080] =	vst v63  }
0x174: {  	s7 =	sadd.s32 $0x100, s3;
	s20 =	simm.s32 $0xA080  }
0x175: {  	[tilespmem:s20], [sflag:$0x1] =	stream.indirect_vreg.gather [hbm4b:s7+s1], $0x80, v10, vm0, $0xb8;
	[tilespmem:$0x10080] =	vst v63  }
0x176: {  	s22 =	simm.s32 $0xA880;
	s9 =	sadd.s32 $0x140, s3  }
0x177: {  	[tilespmem:s22], [sflag:$0x1] =	stream.indirect_vreg.gather [hbm4b:s9+s1], $0x80, v10, vm0, $0xb8;
	[tilespmem:$0x10080] =	vst v63  }
0x178: {  	s21 =	sadd.s32 $0x180, s3;
	s26 =	simm.s32 $0xB080  }
0x179: {  	[tilespmem:s26], [sflag:$0x1] =	stream.indirect_vreg.gather [hbm4b:s21+s1], $0x80, v10, vm0, $0xb8;
	[tilespmem:$0x10080] =	vst v63  }
0x17a: {  	s8 =	sadd.s32 $0x1C0, s3;
	s13 =	simm.s32 $0xB880  }
0x17b: {  	[tilespmem:s13], [sflag:$0x1] =	stream.indirect_vreg.gather [hbm4b:s8+s1], $0x80, v10, vm0, $0xb8;
	[tilespmem:$0x10080] =	vst v63  }
0x17c: {  	s18 =	simm.s32 $0xC080;
	[smem:$0x7CD] =	sst s3  }
0x17d: {  	[tilespmem:s18], [sflag:$0x1] =	stream.indirect_vreg.gather [hbm4b:s3+s1], $0x80, v13, vm0, $0xb8;
	[tilespmem:$0x10080] =	vst v63  }
0x17e: {  	s11 =	simm.s32 $0xC880;
	[smem:$0x7CE] =	sst s4  }
0x17f: {  	[tilespmem:s11], [sflag:$0x1] =	stream.indirect_vreg.gather [hbm4b:s4+s1], $0x80, v13, vm0, $0xb8;
	[tilespmem:$0x10080] =	vst v63  }
0x180: {  	s15 =	simm.s32 $0xD080;
	[smem:$0x7CF] =	sst s5  }
0x181: {  	[tilespmem:s15], [sflag:$0x1] =	stream.indirect_vreg.gather [hbm4b:s5+s1], $0x80, v13, vm0, $0xb8;
	[tilespmem:$0x10080] =	vst v63  }
0x182: {  	s16 =	simm.s32 $0xD880;
	[smem:$0x7D0] =	sst s6  }
0x183: {  	[tilespmem:s16], [sflag:$0x1] =	stream.indirect_vreg.gather [hbm4b:s6+s1], $0x80, v13, vm0, $0xb8;
	[tilespmem:$0x10080] =	vst v63  }
0x184: {  	s24 =	simm.s32 $0xE080;
	[smem:$0x7D1] =	sst s7  }
0x185: {  	[tilespmem:s24], [sflag:$0x1] =	stream.indirect_vreg.gather [hbm4b:s7+s1], $0x80, v13, vm0, $0xb8;
	[tilespmem:$0x10080] =	vst v63  }
0x186: {  	s23 =	simm.s32 $0xE880;
	[smem:$0x7D2] =	sst s9  }
0x187: {  	[tilespmem:s23], [sflag:$0x1] =	stream.indirect_vreg.gather [hbm4b:s9+s1], $0x80, v13, vm0, $0xb8;
	[tilespmem:$0x10080] =	vst v63  }
0x188: {  	[smem:$0x7D3] =	sst s21;
	s9 =	simm.s32 $0xF080  }
0x189: {  	[tilespmem:s9], [sflag:$0x1] =	stream.indirect_vreg.gather [hbm4b:s21+s1], $0x80, v13, vm0, $0xb8;
	[tilespmem:$0x10080] =	vst v63  }
0x18a: {  	[smem:$0x7D4] =	sst s8;
	s21 =	simm.s32 $0xF880  }
0x18b: {  	[tilespmem:s21], [sflag:$0x1] =	stream.indirect_vreg.gather [hbm4b:s8+s1], $0x80, v13, vm0, $0xb8;
	[tilespmem:$0x10080] =	vst v63  }
0x18c: {  	_ =	swait.ge [sflag:s29], $0x8000  }
0x18d: {  	[sflag:s29] =	ssyncset.done $0x0  }
0x18e: {  	s8 =	sadd.s32 s30, s12;
	[sflag:s29] =	ssyncadd.s32 $0xFFFF8000  }
0x18f: {  	[hbm4b:s8+s1] =	stream.indirect_vreg.scatter [tilespmem:s14], [sflag:$0x2], $0x80, v8, vm0, $0xb8;
	[tilespmem:$0x10080] =	vst v63  }
0x190: {  	s12 =	sadd.s32 $0x40, s8  }
0x191: {  	[hbm4b:s12+s1] =	stream.indirect_vreg.scatter [tilespmem:s17], [sflag:$0x2], $0x80, v8, vm0, $0xb8;
	[tilespmem:$0x10080] =	vst v63  }
0x192: {  	s14 =	sadd.s32 $0x80, s8  }
0x193: {  	[hbm4b:s14+s1] =	stream.indirect_vreg.scatter [tilespmem:s19], [sflag:$0x2], $0x80, v8, vm0, $0xb8;
	[tilespmem:$0x10080] =	vst v63  }
0x194: {  	s17 =	sadd.s32 $0xC0, s8  }
0x195: {  	[hbm4b:s17+s1] =	stream.indirect_vreg.scatter [tilespmem:s25], [sflag:$0x2], $0x80, v8, vm0, $0xb8;
	[tilespmem:$0x10080] =	vst v63  }
0x196: {  	s19 =	sadd.s32 $0x100, s8  }
0x197: {  	[hbm4b:s19+s1] =	stream.indirect_vreg.scatter [tilespmem:s20], [sflag:$0x2], $0x80, v8, vm0, $0xb8;
	[tilespmem:$0x10080] =	vst v63  }
0x198: {  	s20 =	sadd.s32 $0x140, s8  }
0x199: {  	[hbm4b:s20+s1] =	stream.indirect_vreg.scatter [tilespmem:s22], [sflag:$0x2], $0x80, v8, vm0, $0xb8;
	[tilespmem:$0x10080] =	vst v63  }
0x19a: {  	s25 =	sadd.s32 $0x180, s8  }
0x19b: {  	[hbm4b:s25+s1] =	stream.indirect_vreg.scatter [tilespmem:s26], [sflag:$0x2], $0x80, v8, vm0, $0xb8;
	[tilespmem:$0x10080] =	vst v63  }
0x19c: {  	s26 =	sadd.s32 $0x1C0, s8  }
0x19d: {  	[hbm4b:s26+s1] =	stream.indirect_vreg.scatter [tilespmem:s13], [sflag:$0x2], $0x80, v8, vm0, $0xb8;
	[tilespmem:$0x10080] =	vst v63  }
0x19e: {  	[smem:$0x7D5] =	sst s8  }
0x19f: {  	[hbm4b:s8+s1] =	stream.indirect_vreg.scatter [tilespmem:s18], [sflag:$0x2], $0x80, v9, vm0, $0xb8;
	[tilespmem:$0x10080] =	vst v63  }
0x1a0: {  	[smem:$0x7D6] =	sst s12  }
0x1a1: {  	[hbm4b:s12+s1] =	stream.indirect_vreg.scatter [tilespmem:s11], [sflag:$0x2], $0x80, v9, vm0, $0xb8;
	[tilespmem:$0x10080] =	vst v63  }
0x1a2: {  	[smem:$0x7D7] =	sst s14  }
0x1a3: {  	[hbm4b:s14+s1] =	stream.indirect_vreg.scatter [tilespmem:s15], [sflag:$0x2], $0x80, v9, vm0, $0xb8;
	[tilespmem:$0x10080] =	vst v63  }
0x1a4: {  	[smem:$0x7D8] =	sst s17  }
0x1a5: {  	[hbm4b:s17+s1] =	stream.indirect_vreg.scatter [tilespmem:s16], [sflag:$0x2], $0x80, v9, vm0, $0xb8;
	[tilespmem:$0x10080] =	vst v63  }
0x1a6: {  	[smem:$0x7D9] =	sst s19  }
0x1a7: {  	[hbm4b:s19+s1] =	stream.indirect_vreg.scatter [tilespmem:s24], [sflag:$0x2], $0x80, v9, vm0, $0xb8;
	[tilespmem:$0x10080] =	vst v63  }
0x1a8: {  	[smem:$0x7DB] =	sst s25  }
0x1a9: {  	[hbm4b:s20+s1] =	stream.indirect_vreg.scatter [tilespmem:s23], [sflag:$0x2], $0x80, v9, vm0, $0xb8;
	[tilespmem:$0x10080] =	vst v63  }
0x1aa: {  	[smem:$0x7DA] =	sst s20  }
0x1ab: {  	[hbm4b:s25+s1] =	stream.indirect_vreg.scatter [tilespmem:s9], [sflag:$0x2], $0x80, v9, vm0, $0xb8;
	[tilespmem:$0x10080] =	vst v63  }
0x1ac: {  	[smem:$0x7DC] =	sst s26  }
0x1ad: {  	[hbm4b:s26+s1] =	stream.indirect_vreg.scatter [tilespmem:s21], [sflag:$0x2], $0x80, v9, vm0, $0xb8;
	[tilespmem:$0x10080] =	vst v63  }
0x1ae: {  	_ =	swait.ge [sflag:s10], $0x8000  }
0x1af: {  	s12 =	sor.u32 $0xC000, s28;
	[sflag:s10] =	ssyncset.done $0x0  }
0x1b0: {  	s2 =	sadd.s32 s31, s12;
	s14 =	simm.s32 $0x80;
	[sflag:s10] =	ssyncadd.s32 $0xFFFF8000  }
0x1b1: {  	[tilespmem:s14], [sflag:$0x1] =	stream.indirect_vreg.gather [hbm4b:s2+s1], $0x80, v10, vm0, $0xb8;
	[tilespmem:$0x10080] =	vst v63  }
0x1b2: {  	s3 =	sadd.s32 $0x40, s2;
	s15 =	simm.s32 $0x880  }
0x1b3: {  	[tilespmem:s15], [sflag:$0x1] =	stream.indirect_vreg.gather [hbm4b:s3+s1], $0x80, v10, vm0, $0xb8;
	[tilespmem:$0x10080] =	vst v63  }
0x1b4: {  	s4 =	sadd.s32 $0x80, s2;
	s16 =	simm.s32 $0x1080  }
0x1b5: {  	[tilespmem:s16], [sflag:$0x1] =	stream.indirect_vreg.gather [hbm4b:s4+s1], $0x80, v10, vm0, $0xb8;
	[tilespmem:$0x10080] =	vst v63  }
0x1b6: {  	s5 =	sadd.s32 $0xC0, s2;
	s17 =	simm.s32 $0x1880  }
0x1b7: {  	[tilespmem:s17], [sflag:$0x1] =	stream.indirect_vreg.gather [hbm4b:s5+s1], $0x80, v10, vm0, $0xb8;
	[tilespmem:$0x10080] =	vst v63  }
0x1b8: {  	s18 =	simm.s32 $0x2080;
	s6 =	sadd.s32 $0x100, s2  }
0x1b9: {  	[tilespmem:s18], [sflag:$0x1] =	stream.indirect_vreg.gather [hbm4b:s6+s1], $0x80, v10, vm0, $0xb8;
	[tilespmem:$0x10080] =	vst v63  }
0x1ba: {  	s7 =	sadd.s32 $0x140, s2;
	s19 =	simm.s32 $0x2880  }
0x1bb: {  	[tilespmem:s19], [sflag:$0x1] =	stream.indirect_vreg.gather [hbm4b:s7+s1], $0x80, v10, vm0, $0xb8;
	[tilespmem:$0x10080] =	vst v63  }
0x1bc: {  	s8 =	sadd.s32 $0x180, s2;
	s20 =	simm.s32 $0x3080  }
0x1bd: {  	[tilespmem:s20], [sflag:$0x1] =	stream.indirect_vreg.gather [hbm4b:s8+s1], $0x80, v10, vm0, $0xb8;
	[tilespmem:$0x10080] =	vst v63  }
0x1be: {  	s26 =	sadd.s32 $0x1C0, s2;
	s21 =	simm.s32 $0x3880  }
0x1bf: {  	[tilespmem:s21], [sflag:$0x1] =	stream.indirect_vreg.gather [hbm4b:s26+s1], $0x80, v10, vm0, $0xb8;
	[tilespmem:$0x10080] =	vst v63  }
0x1c0: {  	s9 =	simm.s32 $0x4080;
	[smem:$0x7DD] =	sst s2  }
0x1c1: {  	[tilespmem:s9], [sflag:$0x1] =	stream.indirect_vreg.gather [hbm4b:s2+s1], $0x80, v13, vm0, $0xb8;
	[tilespmem:$0x10080] =	vst v63  }
0x1c2: {  	s11 =	simm.s32 $0x4880;
	[smem:$0x7DE] =	sst s3  }
0x1c3: {  	[tilespmem:s11], [sflag:$0x1] =	stream.indirect_vreg.gather [hbm4b:s3+s1], $0x80, v13, vm0, $0xb8;
	[tilespmem:$0x10080] =	vst v63  }
0x1c4: {  	s13 =	simm.s32 $0x5080;
	[smem:$0x7DF] =	sst s4  }
0x1c5: {  	[tilespmem:s13], [sflag:$0x1] =	stream.indirect_vreg.gather [hbm4b:s4+s1], $0x80, v13, vm0, $0xb8;
	[tilespmem:$0x10080] =	vst v63  }
0x1c6: {  	s22 =	simm.s32 $0x5880;
	[smem:$0x7E0] =	sst s5  }
0x1c7: {  	[tilespmem:s22], [sflag:$0x1] =	stream.indirect_vreg.gather [hbm4b:s5+s1], $0x80, v13, vm0, $0xb8;
	[tilespmem:$0x10080] =	vst v63  }
0x1c8: {  	s23 =	simm.s32 $0x6080;
	[smem:$0x7E1] =	sst s6  }
0x1c9: {  	[tilespmem:s23], [sflag:$0x1] =	stream.indirect_vreg.gather [hbm4b:s6+s1], $0x80, v13, vm0, $0xb8;
	[tilespmem:$0x10080] =	vst v63  }
0x1ca: {  	s24 =	simm.s32 $0x6880;
	[smem:$0x7E2] =	sst s7  }
0x1cb: {  	[tilespmem:s24], [sflag:$0x1] =	stream.indirect_vreg.gather [hbm4b:s7+s1], $0x80, v13, vm0, $0xb8;
	[tilespmem:$0x10080] =	vst v63  }
0x1cc: {  	s25 =	smov.u32 s31;
	s31 =	simm.s32 $0x7080;
	[smem:$0x7E3] =	sst s8  }
0x1cd: {  	[tilespmem:s31], [sflag:$0x1] =	stream.indirect_vreg.gather [hbm4b:s8+s1], $0x80, v13, vm0, $0xb8;
	[tilespmem:$0x10080] =	vst v63  }
0x1ce: {  	s28 =	simm.s32 $0x7880;
	[smem:$0x7E4] =	sst s26  }
0x1cf: {  	[tilespmem:s28], [sflag:$0x1] =	stream.indirect_vreg.gather [hbm4b:s26+s1], $0x80, v13, vm0, $0xb8;
	[tilespmem:$0x10080] =	vst v63  }
0x1d0: {  	_ =	swait.ge [sflag:s29], $0x8000  }
0x1d1: {  	[sflag:s29] =	ssyncset.done $0x0  }
0x1d2: {  	s5 =	sadd.s32 s30, s12;
	[sflag:s29] =	ssyncadd.s32 $0xFFFF8000  }
0x1d3: {  	[hbm4b:s5+s1] =	stream.indirect_vreg.scatter [tilespmem:s14], [sflag:$0x2], $0x80, v8, vm0, $0xb8;
	[tilespmem:$0x10080] =	vst v63  }
0x1d4: {  	s6 =	sadd.s32 $0x40, s5  }
0x1d5: {  	[hbm4b:s6+s1] =	stream.indirect_vreg.scatter [tilespmem:s15], [sflag:$0x2], $0x80, v8, vm0, $0xb8;
	[tilespmem:$0x10080] =	vst v63  }
0x1d6: {  	s7 =	sadd.s32 $0x80, s5  }
0x1d7: {  	[hbm4b:s7+s1] =	stream.indirect_vreg.scatter [tilespmem:s16], [sflag:$0x2], $0x80, v8, vm0, $0xb8;
	[tilespmem:$0x10080] =	vst v63  }
0x1d8: {  	s8 =	sadd.s32 $0xC0, s5  }
0x1d9: {  	[hbm4b:s8+s1] =	stream.indirect_vreg.scatter [tilespmem:s17], [sflag:$0x2], $0x80, v8, vm0, $0xb8;
	[tilespmem:$0x10080] =	vst v63  }
0x1da: {  	s14 =	sadd.s32 $0x100, s5  }
0x1db: {  	[hbm4b:s14+s1] =	stream.indirect_vreg.scatter [tilespmem:s18], [sflag:$0x2], $0x80, v8, vm0, $0xb8;
	[tilespmem:$0x10080] =	vst v63  }
0x1dc: {  	s15 =	sadd.s32 $0x140, s5  }
0x1dd: {  	[hbm4b:s15+s1] =	stream.indirect_vreg.scatter [tilespmem:s19], [sflag:$0x2], $0x80, v8, vm0, $0xb8;
	[tilespmem:$0x10080] =	vst v63  }
0x1de: {  	s16 =	sadd.s32 $0x180, s5  }
0x1df: {  	[hbm4b:s16+s1] =	stream.indirect_vreg.scatter [tilespmem:s20], [sflag:$0x2], $0x80, v8, vm0, $0xb8;
	[tilespmem:$0x10080] =	vst v63  }
0x1e0: {  	[smem:$0x7E5] =	sst s5;
	s17 =	sadd.s32 $0x1C0, s5  }
0x1e1: {  	[hbm4b:s17+s1] =	stream.indirect_vreg.scatter [tilespmem:s21], [sflag:$0x2], $0x80, v8, vm0, $0xb8;
	[tilespmem:$0x10080] =	vst v63  }
0x1e2: {  	s18 =	stileid.u32;
	s21 =	sld [smem:$0x7E8]  }
0x1e3: {  	[hbm4b:s5+s1] =	stream.indirect_vreg.scatter [tilespmem:s9], [sflag:$0x2], $0x80, v9, vm0, $0xb8;
	[tilespmem:$0x10080] =	vst v63  }
0x1e4: {  	[smem:$0x7E6] =	sst s6;
	s19 =	sshll.u32 s18, $0x1  }
0x1e5: {  	[hbm4b:s6+s1] =	stream.indirect_vreg.scatter [tilespmem:s11], [sflag:$0x2], $0x80, v9, vm0, $0xb8;
	[tilespmem:$0x10080] =	vst v63  }
0x1e6: {  	[smem:$0x7E7] =	sst s7;
	s12 =	sor.u32 s21, s19  }
0x1e7: {  	[hbm4b:s7+s1] =	stream.indirect_vreg.scatter [tilespmem:s13], [sflag:$0x2], $0x80, v9, vm0, $0xb8;
	[tilespmem:$0x10080] =	vst v63  }
0x1e8: {  	[smem:$0x7E9] =	sst s8;
	s12 =	smin.u32 s12, $0x17  }
0x1e9: {  	[hbm4b:s8+s1] =	stream.indirect_vreg.scatter [tilespmem:s22], [sflag:$0x2], $0x80, v9, vm0, $0xb8;
	[tilespmem:$0x10080] =	vst v63  }
0x1ea: {  	[smem:$0x7EA] =	sst s14;
	s20 =	sand.u32 $0x1, s12  }
0x1eb: {  	[hbm4b:s14+s1] =	stream.indirect_vreg.scatter [tilespmem:s23], [sflag:$0x2], $0x80, v9, vm0, $0xb8;
	[tilespmem:$0x10080] =	vst v63  }
0x1ec: {  	[smem:$0x7EB] =	sst s15;
	v10 =	vmov s20  }
0x1ed: {  	v11 =	vor.u32 v10, v11;
	[hbm4b:s15+s1] =	stream.indirect_vreg.scatter [tilespmem:s24], [sflag:$0x2], $0x80, v9, vm0, $0xb8;
	[tilespmem:$0x10080] =	vst v63  }
0x1ee: {  	[smem:$0x7EC] =	sst s16;
	v13 =	vperm.xlane v11, v5  }
0x1ef: {  	[hbm4b:s16+s1] =	stream.indirect_vreg.scatter [tilespmem:s31], [sflag:$0x2], $0x80, v9, vm0, $0xb8;
	[tilespmem:$0x10080] =	vst v63  }
0x1f0: {  	[smem:$0x7ED] =	sst s17;
	s12 =	sshll.u32 s12, $0x8;
	v13 =	vadd.s32 v6, v13  }
0x1f1: {  	[hbm4b:s17+s1] =	stream.indirect_vreg.scatter [tilespmem:s28], [sflag:$0x2], $0x80, v9, vm0, $0xb8;
	[tilespmem:$0x10080] =	vst v63  }
0x1f2: {  	s12 =	sand.u32 $0x1E00, s12;
	_ =	swait.ge [sflag:s10], $0x8000  }
0x1f3: {  	s12 =	sor.u32 $0xE000, s12;
	[sflag:s10] =	ssyncset.done $0x0  }
0x1f4: {  	s2 =	sadd.s32 s25, s12;
	s14 =	simm.s32 $0x8080;
	[sflag:s10] =	ssyncadd.s32 $0xFFFF8000  }
0x1f5: {  	[tilespmem:s14], [sflag:$0x1] =	stream.indirect_vreg.gather [hbm4b:s2+s1], $0x80, v13, vm0, $0xb8;
	[tilespmem:$0x10080] =	vst v63  }
0x1f6: {  	s3 =	sadd.s32 $0x40, s2;
	s17 =	simm.s32 $0x8880  }
0x1f7: {  	[tilespmem:s17], [sflag:$0x1] =	stream.indirect_vreg.gather [hbm4b:s3+s1], $0x80, v13, vm0, $0xb8;
	[tilespmem:$0x10080] =	vst v63  }
0x1f8: {  	s19 =	simm.s32 $0x9080;
	s4 =	sadd.s32 $0x80, s2  }
0x1f9: {  	[tilespmem:s19], [sflag:$0x1] =	stream.indirect_vreg.gather [hbm4b:s4+s1], $0x80, v13, vm0, $0xb8;
	[tilespmem:$0x10080] =	vst v63  }
0x1fa: {  	s5 =	sadd.s32 $0xC0, s2;
	s28 =	simm.s32 $0x9880  }
0x1fb: {  	[tilespmem:s28], [sflag:$0x1] =	stream.indirect_vreg.gather [hbm4b:s5+s1], $0x80, v13, vm0, $0xb8;
	[tilespmem:$0x10080] =	vst v63  }
0x1fc: {  	s26 =	smov.u32 s30;
	s30 =	simm.s32 $0xA080;
	s6 =	sadd.s32 $0x100, s2  }
0x1fd: {  	[tilespmem:s30], [sflag:$0x1] =	stream.indirect_vreg.gather [hbm4b:s6+s1], $0x80, v13, vm0, $0xb8;
	[tilespmem:$0x10080] =	vst v63  }
0x1fe: {  	v11 =	vperm.xlane v11, v7;
	s22 =	simm.s32 $0xA880;
	s7 =	sadd.s32 $0x140, s2  }
0x1ff: {  	[tilespmem:s22], [sflag:$0x1] =	stream.indirect_vreg.gather [hbm4b:s7+s1], $0x80, v13, vm0, $0xb8;
	[tilespmem:$0x10080] =	vst v63  }
0x200: {  	s25 =	simm.s32 $0xB080;
	s8 =	sadd.s32 $0x180, s2;
	v14 =	vadd.s32 v6, v11  }
0x201: {  	[tilespmem:s25], [sflag:$0x1] =	stream.indirect_vreg.gather [hbm4b:s8+s1], $0x80, v13, vm0, $0xb8;
	[tilespmem:$0x10080] =	vst v63  }
0x202: {  	s18 =	simm.s32 $0xB880;
	s13 =	sadd.s32 $0x1C0, s2  }
0x203: {  	[tilespmem:s18], [sflag:$0x1] =	stream.indirect_vreg.gather [hbm4b:s13+s1], $0x80, v13, vm0, $0xb8;
	[tilespmem:$0x10080] =	vst v63  }
0x204: {  	s11 =	simm.s32 $0xC080;
	[smem:$0x7EE] =	sst s2  }
0x205: {  	[tilespmem:s11], [sflag:$0x1] =	stream.indirect_vreg.gather [hbm4b:s2+s1], $0x80, v14, vm0, $0xb8;
	[tilespmem:$0x10080] =	vst v63  }
0x206: {  	s15 =	simm.s32 $0xC880;
	[smem:$0x7EF] =	sst s3  }
0x207: {  	[tilespmem:s15], [sflag:$0x1] =	stream.indirect_vreg.gather [hbm4b:s3+s1], $0x80, v14, vm0, $0xb8;
	[tilespmem:$0x10080] =	vst v63  }
0x208: {  	s16 =	simm.s32 $0xD080;
	[smem:$0x7F0] =	sst s4  }
0x209: {  	[tilespmem:s16], [sflag:$0x1] =	stream.indirect_vreg.gather [hbm4b:s4+s1], $0x80, v14, vm0, $0xb8;
	[tilespmem:$0x10080] =	vst v63  }
0x20a: {  	s24 =	simm.s32 $0xD880;
	[smem:$0x7F1] =	sst s5  }
0x20b: {  	[tilespmem:s24], [sflag:$0x1] =	stream.indirect_vreg.gather [hbm4b:s5+s1], $0x80, v14, vm0, $0xb8;
	[tilespmem:$0x10080] =	vst v63  }
0x20c: {  	s23 =	simm.s32 $0xE080;
	[smem:$0x7F2] =	sst s6  }
0x20d: {  	[tilespmem:s23], [sflag:$0x1] =	stream.indirect_vreg.gather [hbm4b:s6+s1], $0x80, v14, vm0, $0xb8;
	[tilespmem:$0x10080] =	vst v63  }
0x20e: {  	v12 =	vor.u32 s20, v12;
	s20 =	simm.s32 $0xE880;
	[smem:$0x7F3] =	sst s7  }
0x20f: {  	[tilespmem:s20], [sflag:$0x1] =	stream.indirect_vreg.gather [hbm4b:s7+s1], $0x80, v14, vm0, $0xb8;
	[tilespmem:$0x10080] =	vst v63  }
0x210: {  	s9 =	simm.s32 $0xF080;
	v11 =	vperm.xlane v12, v5;
	[smem:$0x7F4] =	sst s8  }
0x211: {  	[tilespmem:s9], [sflag:$0x1] =	stream.indirect_vreg.gather [hbm4b:s8+s1], $0x80, v14, vm0, $0xb8;
	[tilespmem:$0x10080] =	vst v63  }
0x212: {  	v11 =	vadd.s32 v6, v11;
	s31 =	simm.s32 $0xF880;
	[smem:$0x7F5] =	sst s13  }
0x213: {  	[tilespmem:s31], [sflag:$0x1] =	stream.indirect_vreg.gather [hbm4b:s13+s1], $0x80, v14, vm0, $0xb8;
	[tilespmem:$0x10080] =	vst v63  }
0x214: {  	_ =	swait.ge [sflag:s29], $0x8000  }
0x215: {  	[sflag:s29] =	ssyncset.done $0x0  }
0x216: {  	s8 =	sadd.s32 s26, s12;
	[sflag:s29] =	ssyncadd.s32 $0xFFFF8000  }
0x217: {  	[hbm4b:s8+s1] =	stream.indirect_vreg.scatter [tilespmem:s14], [sflag:$0x2], $0x80, v11, vm0, $0xb8;
	[tilespmem:$0x10080] =	vst v63  }
0x218: {  	s12 =	sadd.s32 $0x40, s8  }
0x219: {  	[hbm4b:s12+s1] =	stream.indirect_vreg.scatter [tilespmem:s17], [sflag:$0x2], $0x80, v11, vm0, $0xb8;
	[tilespmem:$0x10080] =	vst v63  }
0x21a: {  	s14 =	sadd.s32 $0x80, s8  }
0x21b: {  	[hbm4b:s14+s1] =	stream.indirect_vreg.scatter [tilespmem:s19], [sflag:$0x2], $0x80, v11, vm0, $0xb8;
	[tilespmem:$0x10080] =	vst v63  }
0x21c: {  	s17 =	sadd.s32 $0xC0, s8  }
0x21d: {  	[hbm4b:s17+s1] =	stream.indirect_vreg.scatter [tilespmem:s28], [sflag:$0x2], $0x80, v11, vm0, $0xb8;
	[tilespmem:$0x10080] =	vst v63  }
0x21e: {  	s19 =	sadd.s32 $0x100, s8  }
0x21f: {  	[hbm4b:s19+s1] =	stream.indirect_vreg.scatter [tilespmem:s30], [sflag:$0x2], $0x80, v11, vm0, $0xb8;
	[tilespmem:$0x10080] =	vst v63  }
0x220: {  	v12 =	vperm.xlane v12, v7;
	s26 =	sadd.s32 $0x140, s8  }
0x221: {  	[hbm4b:s26+s1] =	stream.indirect_vreg.scatter [tilespmem:s22], [sflag:$0x2], $0x80, v11, vm0, $0xb8;
	[tilespmem:$0x10080] =	vst v63  }
0x222: {  	v12 =	vadd.s32 v6, v12;
	s28 =	sadd.s32 $0x180, s8  }
0x223: {  	[hbm4b:s28+s1] =	stream.indirect_vreg.scatter [tilespmem:s25], [sflag:$0x2], $0x80, v11, vm0, $0xb8;
	[tilespmem:$0x10080] =	vst v63  }
0x224: {  	s29 =	sadd.s32 $0x1C0, s8  }
0x225: {  	[hbm4b:s29+s1] =	stream.indirect_vreg.scatter [tilespmem:s18], [sflag:$0x2], $0x80, v11, vm0, $0xb8;
	[tilespmem:$0x10080] =	vst v63  }
0x226: {  	_ = 	snop  }
0x227: {  	[hbm4b:s8+s1] =	stream.indirect_vreg.scatter [tilespmem:s11], [sflag:$0x2], $0x80, v12, vm0, $0xb8;
	[tilespmem:$0x10080] =	vst v63  }
0x228: {  	_ = 	snop  }
0x229: {  	[hbm4b:s12+s1] =	stream.indirect_vreg.scatter [tilespmem:s15], [sflag:$0x2], $0x80, v12, vm0, $0xb8;
	[tilespmem:$0x10080] =	vst v63  }
0x22a: {  	_ = 	snop  }
0x22b: {  	[hbm4b:s14+s1] =	stream.indirect_vreg.scatter [tilespmem:s16], [sflag:$0x2], $0x80, v12, vm0, $0xb8;
	[tilespmem:$0x10080] =	vst v63  }
0x22c: {  	_ = 	snop  }
0x22d: {  	[hbm4b:s17+s1] =	stream.indirect_vreg.scatter [tilespmem:s24], [sflag:$0x2], $0x80, v12, vm0, $0xb8;
	[tilespmem:$0x10080] =	vst v63  }
0x22e: {  	_ = 	snop  }
0x22f: {  	[hbm4b:s19+s1] =	stream.indirect_vreg.scatter [tilespmem:s23], [sflag:$0x2], $0x80, v12, vm0, $0xb8;
	[tilespmem:$0x10080] =	vst v63  }
0x230: {  	[smem:$0x7F6] =	sst s8  }
0x231: {  	[hbm4b:s26+s1] =	stream.indirect_vreg.scatter [tilespmem:s20], [sflag:$0x2], $0x80, v12, vm0, $0xb8;
	[tilespmem:$0x10080] =	vst v63  }
0x232: {  	[smem:$0x7F7] =	sst s12  }
0x233: {  	[hbm4b:s28+s1] =	stream.indirect_vreg.scatter [tilespmem:s9], [sflag:$0x2], $0x80, v12, vm0, $0xb8;
	[tilespmem:$0x10080] =	vst v63  }
0x234: {  	[smem:$0x7FB] =	sst s26;
	s30 =	ssub.s32 $0x2, s21  }
0x235: {  	[hbm4b:s29+s1] =	stream.indirect_vreg.scatter [tilespmem:s31], [sflag:$0x2], $0x80, v12, vm0, $0xb8;
	[tilespmem:$0x10080] =	vst v63  }
0x236: {  	[smem:$0x7FD] =	sst s29;
	s31 =	sshrl.u32 s30, $0x1  }
0x237: {  	[smem:$0x7F8] =	sst s14;
	s12 =	ssub.s32 s30, s31  }
0x238: {  	[smem:$0x7F9] =	sst s17;
	s12 =	smax.u32 s12, $0x1  }
0x239: {  	[smem:$0x7FA] =	sst s19;
	p0 =	sne.s32 s12, $0x1  }
.Ltmp0:
0x23a: {  	[smem:$0x7FC] =	sst s28;
	(pc) =	sbr.rel @!p0 .LBB2_2-.Ltmp0, $4  }
0x23b: {  	_ =	swait.ge [sflag:s10], $0x8000  }
0x23c: {  	[sflag:s10] =	ssyncset.done $0x0  }
0x23d: {  	[sflag:s10] =	ssyncadd.s32 $0xFFFF8000  }
0x23e: {  	s0 =	sadd.s32 $0xFFFFFFFF, s12;
	_ =	swait.ge [sflag:s10], $0x8000  }
.LBB2_1:
0x23f: {  	s29 =	simm.s32 $0x2  }
0x240: {  	s28 =	sadd.s32 $0xFFFFFFFF, s0;
	s14 =	rddreg [dreg:$0x4];
	[sflag:s29] =	ssyncset.done $0x0  }
0x241: {  	s30 =	simm.s32 $0x3;
	[smem:$0x797] =	sst s28;
	[sflag:s29] =	ssyncadd.s32 $0xFFFF8000  }
0x242: {  	[tilespmem:s1], [sflag:$0x3] =	stream.linear.gather [hbm4b:s14+s1], $0x80, $0x38;
	[tilespmem:$0x10080] =	vst v63  }
0x243: {  	_ =	swait.ge [sflag:s30], $0x80  }
0x244: {  	[sflag:s30] =	ssyncset.done $0x0  }
0x245: {  	[sflag:s30] =	ssyncadd.s32 $0xFFFFFF80  }
0x246: {  	v13 =	vld [tilespmem:$0x0]  }
0x247: {  	v14 =	vld [tilespmem:$0x10];
	_ =	sdelay $0x1  }
0x248: {  	v15 =	vld [tilespmem:$0x20];
	_ =	sdelay $0x1  }
0x249: {  	v16 =	vld [tilespmem:$0x30]  }
0x24a: {  	vm1 =	vgt.f32 v14, v13  }
0x24b: {  	v13 =	vsel vm1, v14, v13  }
0x24c: {  	vm2 =	vgt.f32 v15, v13  }
0x24d: {  	v14 =	vsel vm1, v1, v0;
	v13 =	vsel vm2, v15, v13  }
0x24e: {  	v14 =	vsel vm2, v2, v14;
	vm1 =	vgt.f32 v16, v13  }
0x24f: {  	v13 =	vsel vm1, v3, v14  }
0x250: {  	v14 =	vor.u32 v4, v13  }
0x251: {  	v15 =	vperm.xlane v14, v5;
	_ =	sdelay $0x1  }
0x252: {  	v63 =	vadd.s32 v6, v15;
	_ =	sdelay $0x3  }
0x253: {  	s5 =	simm.s32 $0x80;
	s31 =	rddreg [dreg:$0x5]  }
0x254: {  	[tilespmem:s5], [sflag:$0x1] =	stream.indirect_vreg.gather [hbm4b:s31+s1], $0x80, v63, vm0, $0xb8;
	[tilespmem:$0x10080] =	vst v63  }
0x255: {  	s6 =	simm.s32 $0x880;
	s20 =	rddreg [dreg:$0x6]  }
0x256: {  	[tilespmem:s6], [sflag:$0x1] =	stream.indirect_vreg.gather [hbm4b:s20+s1], $0x80, v63, vm0, $0xb8;
	[tilespmem:$0x10080] =	vst v63  }
0x257: {  	s7 =	simm.s32 $0x1080;
	s22 =	rddreg [dreg:$0x7]  }
0x258: {  	[tilespmem:s7], [sflag:$0x1] =	stream.indirect_vreg.gather [hbm4b:s22+s1], $0x80, v63, vm0, $0xb8;
	[tilespmem:$0x10080] =	vst v63  }
0x259: {  	s9 =	simm.s32 $0x1880;
	s24 =	rddreg [dreg:$0x8]  }
0x25a: {  	[tilespmem:s9], [sflag:$0x1] =	stream.indirect_vreg.gather [hbm4b:s24+s1], $0x80, v63, vm0, $0xb8;
	[tilespmem:$0x10080] =	vst v63  }
0x25b: {  	s10 =	simm.s32 $0x2080;
	s26 =	rddreg [dreg:$0x9]  }
0x25c: {  	[tilespmem:s10], [sflag:$0x1] =	stream.indirect_vreg.gather [hbm4b:s26+s1], $0x80, v63, vm0, $0xb8;
	[tilespmem:$0x10080] =	vst v63  }
0x25d: {  	s11 =	simm.s32 $0x2880;
	s13 =	rddreg [dreg:$0xa];
	v17 =	vperm.xlane v14, v7  }
0x25e: {  	[tilespmem:s11], [sflag:$0x1] =	stream.indirect_vreg.gather [hbm4b:s13+s1], $0x80, v63, vm0, $0xb8;
	[tilespmem:$0x10080] =	vst v63  }
0x25f: {  	s12 =	simm.s32 $0x3080;
	s19 =	rddreg [dreg:$0xb];
	v15 =	vadd.s32 v6, v17  }
0x260: {  	[tilespmem:s12], [sflag:$0x1] =	stream.indirect_vreg.gather [hbm4b:s19+s1], $0x80, v63, vm0, $0xb8;
	[tilespmem:$0x10080] =	vst v63  }
0x261: {  	s15 =	simm.s32 $0x3880;
	s3 =	rddreg [dreg:$0xc]  }
0x262: {  	[tilespmem:s15], [sflag:$0x1] =	stream.indirect_vreg.gather [hbm4b:s3+s1], $0x80, v63, vm0, $0xb8;
	[tilespmem:$0x10080] =	vst v63  }
0x263: {  	s16 =	simm.s32 $0x4080  }
0x264: {  	[tilespmem:s16], [sflag:$0x1] =	stream.indirect_vreg.gather [hbm4b:s31+s1], $0x80, v15, vm0, $0xb8;
	[tilespmem:$0x10080] =	vst v63  }
0x265: {  	s9 =	simm.s32 $0x4880  }
0x266: {  	[tilespmem:s9], [sflag:$0x1] =	stream.indirect_vreg.gather [hbm4b:s20+s1], $0x80, v15, vm0, $0xb8;
	[tilespmem:$0x10080] =	vst v63  }
0x267: {  	s17 =	simm.s32 $0x5080  }
0x268: {  	[tilespmem:s17], [sflag:$0x1] =	stream.indirect_vreg.gather [hbm4b:s22+s1], $0x80, v15, vm0, $0xb8;
	[tilespmem:$0x10080] =	vst v63  }
0x269: {  	s18 =	simm.s32 $0x5880  }
0x26a: {  	[tilespmem:s18], [sflag:$0x1] =	stream.indirect_vreg.gather [hbm4b:s24+s1], $0x80, v15, vm0, $0xb8;
	[tilespmem:$0x10080] =	vst v63  }
0x26b: {  	s20 =	simm.s32 $0x6080  }
0x26c: {  	[tilespmem:s20], [sflag:$0x1] =	stream.indirect_vreg.gather [hbm4b:s26+s1], $0x80, v15, vm0, $0xb8;
	[tilespmem:$0x10080] =	vst v63  }
0x26d: {  	s26 =	simm.s32 $0x6880  }
0x26e: {  	[tilespmem:s26], [sflag:$0x1] =	stream.indirect_vreg.gather [hbm4b:s13+s1], $0x80, v15, vm0, $0xb8;
	[tilespmem:$0x10080] =	vst v63  }
0x26f: {  	s23 =	simm.s32 $0x7080  }
0x270: {  	[tilespmem:s23], [sflag:$0x1] =	stream.indirect_vreg.gather [hbm4b:s19+s1], $0x80, v15, vm0, $0xb8;
	[tilespmem:$0x10080] =	vst v63  }
0x271: {  	s22 =	simm.s32 $0x1;
	s24 =	simm.s32 $0x7880  }
0x272: {  	[tilespmem:s24], [sflag:$0x1] =	stream.indirect_vreg.gather [hbm4b:s3+s1], $0x80, v15, vm0, $0xb8;
	[tilespmem:$0x10080] =	vst v63  }
0x273: {  	_ =	swait.ge [sflag:s22], $0x8000  }
0x274: {  	[sflag:s22] =	ssyncset.done $0x0  }
0x275: {  	s8 =	simm.s32 $0x80;
	s28 =	rddreg [dreg:$0xd];
	[sflag:s22] =	ssyncadd.s32 $0xFFFF8000  }
0x276: {  	[hbm4b:s28+s1] =	stream.indirect_vreg.scatter [tilespmem:s8], [sflag:$0x2], $0x80, v8, vm0, $0xb8;
	[tilespmem:$0x10080] =	vst v63  }
0x277: {  	s2 =	simm.s32 $0x880;
	s29 =	rddreg [dreg:$0xe]  }
0x278: {  	[hbm4b:s29+s1] =	stream.indirect_vreg.scatter [tilespmem:s2], [sflag:$0x2], $0x80, v8, vm0, $0xb8;
	[tilespmem:$0x10080] =	vst v63  }
0x279: {  	s4 =	simm.s32 $0x1080;
	s11 =	rddreg [dreg:$0xf]  }
0x27a: {  	[hbm4b:s11+s1] =	stream.indirect_vreg.scatter [tilespmem:s4], [sflag:$0x2], $0x80, v8, vm0, $0xb8;
	[tilespmem:$0x10080] =	vst v63  }
0x27b: {  	s5 =	simm.s32 $0x1880;
	s30 =	rddreg [dreg:$0x10]  }
0x27c: {  	[hbm4b:s30+s1] =	stream.indirect_vreg.scatter [tilespmem:s5], [sflag:$0x2], $0x80, v8, vm0, $0xb8;
	[tilespmem:$0x10080] =	vst v63  }
0x27d: {  	s6 =	simm.s32 $0x2080;
	s5 =	rddreg [dreg:$0x11]  }
0x27e: {  	[hbm4b:s5+s1] =	stream.indirect_vreg.scatter [tilespmem:s6], [sflag:$0x2], $0x80, v8, vm0, $0xb8;
	[tilespmem:$0x10080] =	vst v63  }
0x27f: {  	s7 =	simm.s32 $0x2880;
	s8 =	rddreg [dreg:$0x12]  }
0x280: {  	[hbm4b:s8+s1] =	stream.indirect_vreg.scatter [tilespmem:s7], [sflag:$0x2], $0x80, v8, vm0, $0xb8;
	[tilespmem:$0x10080] =	vst v63  }
0x281: {  	s12 =	simm.s32 $0x3080;
	s17 =	rddreg [dreg:$0x13]  }
0x282: {  	[hbm4b:s17+s1] =	stream.indirect_vreg.scatter [tilespmem:s12], [sflag:$0x2], $0x80, v8, vm0, $0xb8;
	[tilespmem:$0x10080] =	vst v63  }
0x283: {  	s15 =	simm.s32 $0x3880;
	s31 =	rddreg [dreg:$0x14]  }
0x284: {  	[hbm4b:s31+s1] =	stream.indirect_vreg.scatter [tilespmem:s15], [sflag:$0x2], $0x80, v8, vm0, $0xb8;
	[tilespmem:$0x10080] =	vst v63  }
0x285: {  	p0 =	sne.s32 s0, $0x1;
	s0 =	simm.s32 $0x4080  }
0x286: {  	[hbm4b:s28+s1] =	stream.indirect_vreg.scatter [tilespmem:s0], [sflag:$0x2], $0x80, v9, vm0, $0xb8;
	[tilespmem:$0x10080] =	vst v63  }
0x287: {  	s16 =	simm.s32 $0x4880  }
0x288: {  	[hbm4b:s29+s1] =	stream.indirect_vreg.scatter [tilespmem:s16], [sflag:$0x2], $0x80, v9, vm0, $0xb8;
	[tilespmem:$0x10080] =	vst v63  }
0x289: {  	s14 =	simm.s32 $0x5080  }
0x28a: {  	[hbm4b:s11+s1] =	stream.indirect_vreg.scatter [tilespmem:s14], [sflag:$0x2], $0x80, v9, vm0, $0xb8;
	[tilespmem:$0x10080] =	vst v63  }
0x28b: {  	s18 =	simm.s32 $0x5880  }
0x28c: {  	[hbm4b:s30+s1] =	stream.indirect_vreg.scatter [tilespmem:s18], [sflag:$0x2], $0x80, v9, vm0, $0xb8;
	[tilespmem:$0x10080] =	vst v63  }
0x28d: {  	s21 =	simm.s32 $0x6080  }
0x28e: {  	[hbm4b:s5+s1] =	stream.indirect_vreg.scatter [tilespmem:s21], [sflag:$0x2], $0x80, v9, vm0, $0xb8;
	[tilespmem:$0x10080] =	vst v63  }
0x28f: {  	_ = 	snop  }
0x290: {  	[hbm4b:s8+s1] =	stream.indirect_vreg.scatter [tilespmem:s26], [sflag:$0x2], $0x80, v9, vm0, $0xb8;
	[tilespmem:$0x10080] =	vst v63  }
0x291: {  	s10 =	simm.s32 $0x7080  }
0x292: {  	[hbm4b:s17+s1] =	stream.indirect_vreg.scatter [tilespmem:s10], [sflag:$0x2], $0x80, v9, vm0, $0xb8;
	[tilespmem:$0x10080] =	vst v63  }
0x293: {  	s25 =	simm.s32 $0x7880  }
0x294: {  	[hbm4b:s31+s1] =	stream.indirect_vreg.scatter [tilespmem:s25], [sflag:$0x2], $0x80, v9, vm0, $0xb8;
	[tilespmem:$0x10080] =	vst v63  }
0x295: {  	s11 =	simm.s32 $0x8080;
	s10 =	rddreg [dreg:$0x15]  }
0x296: {  	[tilespmem:s11], [sflag:$0x1] =	stream.indirect_vreg.gather [hbm4b:s10+s1], $0x80, v63, vm0, $0xb8;
	[tilespmem:$0x10080] =	vst v63  }
0x297: {  	s13 =	rddreg [dreg:$0x16];
	s12 =	simm.s32 $0x8880  }
0x298: {  	[tilespmem:s12], [sflag:$0x1] =	stream.indirect_vreg.gather [hbm4b:s13+s1], $0x80, v63, vm0, $0xb8;
	[tilespmem:$0x10080] =	vst v63  }
0x299: {  	s15 =	rddreg [dreg:$0x17];
	s14 =	simm.s32 $0x9080  }
0x29a: {  	[tilespmem:s14], [sflag:$0x1] =	stream.indirect_vreg.gather [hbm4b:s15+s1], $0x80, v63, vm0, $0xb8;
	[tilespmem:$0x10080] =	vst v63  }
0x29b: {  	s3 =	simm.s32 $0x9880;
	s31 =	rddreg [dreg:$0x18]  }
0x29c: {  	[tilespmem:s3], [sflag:$0x1] =	stream.indirect_vreg.gather [hbm4b:s31+s1], $0x80, v63, vm0, $0xb8;
	[tilespmem:$0x10080] =	vst v63  }
0x29d: {  	s6 =	simm.s32 $0xA080;
	s8 =	rddreg [dreg:$0x19]  }
0x29e: {  	[tilespmem:s6], [sflag:$0x1] =	stream.indirect_vreg.gather [hbm4b:s8+s1], $0x80, v63, vm0, $0xb8;
	[tilespmem:$0x10080] =	vst v63  }
0x29f: {  	s11 =	simm.s32 $0xA880;
	s12 =	rddreg [dreg:$0x1a]  }
0x2a0: {  	[tilespmem:s11], [sflag:$0x1] =	stream.indirect_vreg.gather [hbm4b:s12+s1], $0x80, v63, vm0, $0xb8;
	[tilespmem:$0x10080] =	vst v63  }
0x2a1: {  	s19 =	simm.s32 $0xB080;
	s20 =	rddreg [dreg:$0x1b]  }
0x2a2: {  	[tilespmem:s19], [sflag:$0x1] =	stream.indirect_vreg.gather [hbm4b:s20+s1], $0x80, v63, vm0, $0xb8;
	[tilespmem:$0x10080] =	vst v63  }
0x2a3: {  	s24 =	simm.s32 $0xB880;
	s29 =	rddreg [dreg:$0x1c]  }
0x2a4: {  	[tilespmem:s24], [sflag:$0x1] =	stream.indirect_vreg.gather [hbm4b:s29+s1], $0x80, v63, vm0, $0xb8;
	[tilespmem:$0x10080] =	vst v63  }
0x2a5: {  	s30 =	simm.s32 $0xC080  }
0x2a6: {  	[tilespmem:s30], [sflag:$0x1] =	stream.indirect_vreg.gather [hbm4b:s10+s1], $0x80, v15, vm0, $0xb8;
	[tilespmem:$0x10080] =	vst v63  }
0x2a7: {  	s10 =	simm.s32 $0xC880  }
0x2a8: {  	[tilespmem:s10], [sflag:$0x1] =	stream.indirect_vreg.gather [hbm4b:s13+s1], $0x80, v15, vm0, $0xb8;
	[tilespmem:$0x10080] =	vst v63  }
0x2a9: {  	s11 =	simm.s32 $0xD080  }
0x2aa: {  	[tilespmem:s11], [sflag:$0x1] =	stream.indirect_vreg.gather [hbm4b:s15+s1], $0x80, v15, vm0, $0xb8;
	[tilespmem:$0x10080] =	vst v63  }
0x2ab: {  	s13 =	simm.s32 $0xD880  }
0x2ac: {  	[tilespmem:s13], [sflag:$0x1] =	stream.indirect_vreg.gather [hbm4b:s31+s1], $0x80, v15, vm0, $0xb8;
	[tilespmem:$0x10080] =	vst v63  }
0x2ad: {  	s3 =	simm.s32 $0xE080  }
0x2ae: {  	[tilespmem:s3], [sflag:$0x1] =	stream.indirect_vreg.gather [hbm4b:s8+s1], $0x80, v15, vm0, $0xb8;
	[tilespmem:$0x10080] =	vst v63  }
0x2af: {  	s10 =	simm.s32 $0xE880  }
0x2b0: {  	[tilespmem:s10], [sflag:$0x1] =	stream.indirect_vreg.gather [hbm4b:s12+s1], $0x80, v15, vm0, $0xb8;
	[tilespmem:$0x10080] =	vst v63  }
0x2b1: {  	s3 =	simm.s32 $0xF080  }
0x2b2: {  	[tilespmem:s3], [sflag:$0x1] =	stream.indirect_vreg.gather [hbm4b:s20+s1], $0x80, v15, vm0, $0xb8;
	[tilespmem:$0x10080] =	vst v63  }
0x2b3: {  	s10 =	simm.s32 $0xF880  }
0x2b4: {  	[tilespmem:s10], [sflag:$0x1] =	stream.indirect_vreg.gather [hbm4b:s29+s1], $0x80, v15, vm0, $0xb8;
	[tilespmem:$0x10080] =	vst v63  }
0x2b5: {  	_ =	swait.ge [sflag:s22], $0x8000  }
0x2b6: {  	[sflag:s22] =	ssyncset.done $0x0;
	s12 =	rddreg [dreg:$0x1d]  }
0x2b7: {  	s16 =	simm.s32 $0x8080;
	s19 =	rddreg [dreg:$0x1f];
	[sflag:s22] =	ssyncadd.s32 $0xFFFF8000  }
0x2b8: {  	[hbm4b:s12+s1] =	stream.indirect_vreg.scatter [tilespmem:s16], [sflag:$0x2], $0x80, v8, vm0, $0xb8;
	[tilespmem:$0x10080] =	vst v63  }
0x2b9: {  	s4 =	simm.s32 $0x8880;
	s16 =	rddreg [dreg:$0x1e]  }
0x2ba: {  	[hbm4b:s16+s1] =	stream.indirect_vreg.scatter [tilespmem:s4], [sflag:$0x2], $0x80, v8, vm0, $0xb8;
	[tilespmem:$0x10080] =	vst v63  }
0x2bb: {  	s5 =	simm.s32 $0x9080;
	s20 =	sld [smem:$0x798]  }
0x2bc: {  	[hbm4b:s19+s1] =	stream.indirect_vreg.scatter [tilespmem:s5], [sflag:$0x2], $0x80, v8, vm0, $0xb8;
	[tilespmem:$0x10080] =	vst v63  }
0x2bd: {  	s7 =	simm.s32 $0x9880;
	s24 =	sld [smem:$0x799]  }
0x2be: {  	[hbm4b:s20+s1] =	stream.indirect_vreg.scatter [tilespmem:s7], [sflag:$0x2], $0x80, v8, vm0, $0xb8;
	[tilespmem:$0x10080] =	vst v63  }
0x2bf: {  	s18 =	simm.s32 $0xA080;
	s29 =	sld [smem:$0x79A]  }
0x2c0: {  	[hbm4b:s24+s1] =	stream.indirect_vreg.scatter [tilespmem:s18], [sflag:$0x2], $0x80, v8, vm0, $0xb8;
	[tilespmem:$0x10080] =	vst v63  }
0x2c1: {  	s25 =	simm.s32 $0xA880;
	s30 =	sld [smem:$0x79B]  }
0x2c2: {  	[hbm4b:s29+s1] =	stream.indirect_vreg.scatter [tilespmem:s25], [sflag:$0x2], $0x80, v8, vm0, $0xb8;
	[tilespmem:$0x10080] =	vst v63  }
0x2c3: {  	s28 =	simm.s32 $0xB080;
	s31 =	sld [smem:$0x79C]  }
0x2c4: {  	[hbm4b:s30+s1] =	stream.indirect_vreg.scatter [tilespmem:s28], [sflag:$0x2], $0x80, v8, vm0, $0xb8;
	[tilespmem:$0x10080] =	vst v63  }
0x2c5: {  	s23 =	simm.s32 $0xB880  }
0x2c6: {  	[hbm4b:s31+s1] =	stream.indirect_vreg.scatter [tilespmem:s23], [sflag:$0x2], $0x80, v8, vm0, $0xb8;
	[tilespmem:$0x10080] =	vst v63  }
0x2c7: {  	s21 =	simm.s32 $0xC080  }
0x2c8: {  	[hbm4b:s12+s1] =	stream.indirect_vreg.scatter [tilespmem:s21], [sflag:$0x2], $0x80, v9, vm0, $0xb8;
	[tilespmem:$0x10080] =	vst v63  }
0x2c9: {  	s14 =	simm.s32 $0xC880  }
0x2ca: {  	[hbm4b:s16+s1] =	stream.indirect_vreg.scatter [tilespmem:s14], [sflag:$0x2], $0x80, v9, vm0, $0xb8;
	[tilespmem:$0x10080] =	vst v63  }
0x2cb: {  	s15 =	simm.s32 $0xD080  }
0x2cc: {  	[hbm4b:s19+s1] =	stream.indirect_vreg.scatter [tilespmem:s15], [sflag:$0x2], $0x80, v9, vm0, $0xb8;
	[tilespmem:$0x10080] =	vst v63  }
0x2cd: {  	s17 =	simm.s32 $0xD880  }
0x2ce: {  	[hbm4b:s20+s1] =	stream.indirect_vreg.scatter [tilespmem:s17], [sflag:$0x2], $0x80, v9, vm0, $0xb8;
	[tilespmem:$0x10080] =	vst v63  }
0x2cf: {  	s9 =	simm.s32 $0xE080  }
0x2d0: {  	[hbm4b:s24+s1] =	stream.indirect_vreg.scatter [tilespmem:s9], [sflag:$0x2], $0x80, v9, vm0, $0xb8;
	[tilespmem:$0x10080] =	vst v63  }
0x2d1: {  	s11 =	simm.s32 $0xE880  }
0x2d2: {  	[hbm4b:s29+s1] =	stream.indirect_vreg.scatter [tilespmem:s11], [sflag:$0x2], $0x80, v9, vm0, $0xb8;
	[tilespmem:$0x10080] =	vst v63  }
0x2d3: {  	s6 =	simm.s32 $0xF080  }
0x2d4: {  	[hbm4b:s30+s1] =	stream.indirect_vreg.scatter [tilespmem:s6], [sflag:$0x2], $0x80, v9, vm0, $0xb8;
	[tilespmem:$0x10080] =	vst v63  }
0x2d5: {  	s10 =	simm.s32 $0xF880;
	s11 =	simm.s32 $0x2  }
0x2d6: {  	[hbm4b:s31+s1] =	stream.indirect_vreg.scatter [tilespmem:s10], [sflag:$0x2], $0x80, v9, vm0, $0xb8;
	[tilespmem:$0x10080] =	vst v63  }
0x2d7: {  	_ =	swait.ge [sflag:s11], $0x8000  }
0x2d8: {  	s12 =	sld [smem:$0x79D]  }
0x2d9: {  	[sflag:s11] =	ssyncset.done $0x0  }
0x2da: {  	s23 =	simm.s32 $0x80;
	s13 =	sld [smem:$0x79E];
	[sflag:s11] =	ssyncadd.s32 $0xFFFF8000  }
0x2db: {  	[tilespmem:s23], [sflag:$0x1] =	stream.indirect_vreg.gather [hbm4b:s12+s1], $0x80, v63, vm0, $0xb8;
	[tilespmem:$0x10080] =	vst v63  }
0x2dc: {  	s9 =	simm.s32 $0x880;
	s14 =	sld [smem:$0x79F]  }
0x2dd: {  	[tilespmem:s9], [sflag:$0x1] =	stream.indirect_vreg.gather [hbm4b:s13+s1], $0x80, v63, vm0, $0xb8;
	[tilespmem:$0x10080] =	vst v63  }
0x2de: {  	s15 =	simm.s32 $0x1080;
	s17 =	sld [smem:$0x7A0]  }
0x2df: {  	[tilespmem:s15], [sflag:$0x1] =	stream.indirect_vreg.gather [hbm4b:s14+s1], $0x80, v63, vm0, $0xb8;
	[tilespmem:$0x10080] =	vst v63  }
0x2e0: {  	s16 =	simm.s32 $0x1880;
	s19 =	sld [smem:$0x7A1]  }
0x2e1: {  	[tilespmem:s16], [sflag:$0x1] =	stream.indirect_vreg.gather [hbm4b:s17+s1], $0x80, v63, vm0, $0xb8;
	[tilespmem:$0x10080] =	vst v63  }
0x2e2: {  	s18 =	simm.s32 $0x2080;
	s20 =	sld [smem:$0x7A2]  }
0x2e3: {  	[tilespmem:s18], [sflag:$0x1] =	stream.indirect_vreg.gather [hbm4b:s19+s1], $0x80, v63, vm0, $0xb8;
	[tilespmem:$0x10080] =	vst v63  }
0x2e4: {  	s21 =	simm.s32 $0x2880;
	s30 =	sld [smem:$0x7A3]  }
0x2e5: {  	[tilespmem:s21], [sflag:$0x1] =	stream.indirect_vreg.gather [hbm4b:s20+s1], $0x80, v63, vm0, $0xb8;
	[tilespmem:$0x10080] =	vst v63  }
0x2e6: {  	s25 =	simm.s32 $0x3080;
	s31 =	sld [smem:$0x7A4]  }
0x2e7: {  	[tilespmem:s25], [sflag:$0x1] =	stream.indirect_vreg.gather [hbm4b:s30+s1], $0x80, v63, vm0, $0xb8;
	[tilespmem:$0x10080] =	vst v63  }
0x2e8: {  	s28 =	simm.s32 $0x3880  }
0x2e9: {  	[tilespmem:s28], [sflag:$0x1] =	stream.indirect_vreg.gather [hbm4b:s31+s1], $0x80, v63, vm0, $0xb8;
	[tilespmem:$0x10080] =	vst v63  }
0x2ea: {  	s29 =	simm.s32 $0x4080  }
0x2eb: {  	[tilespmem:s29], [sflag:$0x1] =	stream.indirect_vreg.gather [hbm4b:s12+s1], $0x80, v15, vm0, $0xb8;
	[tilespmem:$0x10080] =	vst v63  }
0x2ec: {  	s11 =	simm.s32 $0x4880  }
0x2ed: {  	[tilespmem:s11], [sflag:$0x1] =	stream.indirect_vreg.gather [hbm4b:s13+s1], $0x80, v15, vm0, $0xb8;
	[tilespmem:$0x10080] =	vst v63  }
0x2ee: {  	s13 =	simm.s32 $0x5080  }
0x2ef: {  	[tilespmem:s13], [sflag:$0x1] =	stream.indirect_vreg.gather [hbm4b:s14+s1], $0x80, v15, vm0, $0xb8;
	[tilespmem:$0x10080] =	vst v63  }
0x2f0: {  	s14 =	simm.s32 $0x5880  }
0x2f1: {  	[tilespmem:s14], [sflag:$0x1] =	stream.indirect_vreg.gather [hbm4b:s17+s1], $0x80, v15, vm0, $0xb8;
	[tilespmem:$0x10080] =	vst v63  }
0x2f2: {  	s17 =	simm.s32 $0x6080  }
0x2f3: {  	[tilespmem:s17], [sflag:$0x1] =	stream.indirect_vreg.gather [hbm4b:s19+s1], $0x80, v15, vm0, $0xb8;
	[tilespmem:$0x10080] =	vst v63  }
0x2f4: {  	_ = 	snop  }
0x2f5: {  	[tilespmem:s26], [sflag:$0x1] =	stream.indirect_vreg.gather [hbm4b:s20+s1], $0x80, v15, vm0, $0xb8;
	[tilespmem:$0x10080] =	vst v63  }
0x2f6: {  	s10 =	simm.s32 $0x7080  }
0x2f7: {  	[tilespmem:s10], [sflag:$0x1] =	stream.indirect_vreg.gather [hbm4b:s30+s1], $0x80, v15, vm0, $0xb8;
	[tilespmem:$0x10080] =	vst v63  }
0x2f8: {  	s12 =	simm.s32 $0x7880  }
0x2f9: {  	[tilespmem:s12], [sflag:$0x1] =	stream.indirect_vreg.gather [hbm4b:s31+s1], $0x80, v15, vm0, $0xb8;
	[tilespmem:$0x10080] =	vst v63  }
0x2fa: {  	_ =	swait.ge [sflag:s22], $0x8000  }
0x2fb: {  	s7 =	sld [smem:$0x7A5]  }
0x2fc: {  	[sflag:s22] =	ssyncset.done $0x0  }
0x2fd: {  	s8 =	sld [smem:$0x7A6];
	[sflag:s22] =	ssyncadd.s32 $0xFFFF8000  }
0x2fe: {  	[hbm4b:s7+s1] =	stream.indirect_vreg.scatter [tilespmem:s23], [sflag:$0x2], $0x80, v8, vm0, $0xb8;
	[tilespmem:$0x10080] =	vst v63  }
0x2ff: {  	_ = 	snop  }
0x300: {  	[hbm4b:s8+s1] =	stream.indirect_vreg.scatter [tilespmem:s9], [sflag:$0x2], $0x80, v8, vm0, $0xb8;
	[tilespmem:$0x10080] =	vst v63  }
0x301: {  	s9 =	sld [smem:$0x7A7];
	_ =	sdelay $0x1  }
0x302: {  	s19 =	sld [smem:$0x7A8]  }
0x303: {  	[hbm4b:s9+s1] =	stream.indirect_vreg.scatter [tilespmem:s15], [sflag:$0x2], $0x80, v8, vm0, $0xb8;
	[tilespmem:$0x10080] =	vst v63  }
0x304: {  	s20 =	sld [smem:$0x7A9]  }
0x305: {  	[hbm4b:s19+s1] =	stream.indirect_vreg.scatter [tilespmem:s16], [sflag:$0x2], $0x80, v8, vm0, $0xb8;
	[tilespmem:$0x10080] =	vst v63  }
0x306: {  	s23 =	sld [smem:$0x7AA]  }
0x307: {  	[hbm4b:s20+s1] =	stream.indirect_vreg.scatter [tilespmem:s18], [sflag:$0x2], $0x80, v8, vm0, $0xb8;
	[tilespmem:$0x10080] =	vst v63  }
0x308: {  	s30 =	sld [smem:$0x7AB]  }
0x309: {  	[hbm4b:s23+s1] =	stream.indirect_vreg.scatter [tilespmem:s21], [sflag:$0x2], $0x80, v8, vm0, $0xb8;
	[tilespmem:$0x10080] =	vst v63  }
0x30a: {  	s31 =	sld [smem:$0x7AC]  }
0x30b: {  	[hbm4b:s30+s1] =	stream.indirect_vreg.scatter [tilespmem:s25], [sflag:$0x2], $0x80, v8, vm0, $0xb8;
	[tilespmem:$0x10080] =	vst v63  }
0x30c: {  	_ = 	snop  }
0x30d: {  	[hbm4b:s31+s1] =	stream.indirect_vreg.scatter [tilespmem:s28], [sflag:$0x2], $0x80, v8, vm0, $0xb8;
	[tilespmem:$0x10080] =	vst v63  }
0x30e: {  	_ = 	snop  }
0x30f: {  	[hbm4b:s7+s1] =	stream.indirect_vreg.scatter [tilespmem:s29], [sflag:$0x2], $0x80, v9, vm0, $0xb8;
	[tilespmem:$0x10080] =	vst v63  }
0x310: {  	_ = 	snop  }
0x311: {  	[hbm4b:s8+s1] =	stream.indirect_vreg.scatter [tilespmem:s11], [sflag:$0x2], $0x80, v9, vm0, $0xb8;
	[tilespmem:$0x10080] =	vst v63  }
0x312: {  	_ = 	snop  }
0x313: {  	[hbm4b:s9+s1] =	stream.indirect_vreg.scatter [tilespmem:s13], [sflag:$0x2], $0x80, v9, vm0, $0xb8;
	[tilespmem:$0x10080] =	vst v63  }
0x314: {  	_ = 	snop  }
0x315: {  	[hbm4b:s19+s1] =	stream.indirect_vreg.scatter [tilespmem:s14], [sflag:$0x2], $0x80, v9, vm0, $0xb8;
	[tilespmem:$0x10080] =	vst v63  }
0x316: {  	_ = 	snop  }
0x317: {  	[hbm4b:s20+s1] =	stream.indirect_vreg.scatter [tilespmem:s17], [sflag:$0x2], $0x80, v9, vm0, $0xb8;
	[tilespmem:$0x10080] =	vst v63  }
0x318: {  	_ = 	snop  }
0x319: {  	[hbm4b:s23+s1] =	stream.indirect_vreg.scatter [tilespmem:s26], [sflag:$0x2], $0x80, v9, vm0, $0xb8;
	[tilespmem:$0x10080] =	vst v63  }
0x31a: {  	_ = 	snop  }
0x31b: {  	[hbm4b:s30+s1] =	stream.indirect_vreg.scatter [tilespmem:s10], [sflag:$0x2], $0x80, v9, vm0, $0xb8;
	[tilespmem:$0x10080] =	vst v63  }
0x31c: {  	s24 =	simm.s32 $0x2  }
0x31d: {  	[hbm4b:s31+s1] =	stream.indirect_vreg.scatter [tilespmem:s12], [sflag:$0x2], $0x80, v9, vm0, $0xb8;
	[tilespmem:$0x10080] =	vst v63  }
0x31e: {  	_ =	swait.ge [sflag:s24], $0x8000  }
0x31f: {  	s7 =	sld [smem:$0x7AD]  }
0x320: {  	[sflag:s24] =	ssyncset.done $0x0  }
0x321: {  	s15 =	simm.s32 $0x8080;
	s8 =	sld [smem:$0x7AE];
	[sflag:s24] =	ssyncadd.s32 $0xFFFF8000  }
0x322: {  	[tilespmem:s15], [sflag:$0x1] =	stream.indirect_vreg.gather [hbm4b:s7+s1], $0x80, v63, vm0, $0xb8;
	[tilespmem:$0x10080] =	vst v63  }
0x323: {  	s29 =	simm.s32 $0x8880;
	s17 =	sld [smem:$0x7AF]  }
0x324: {  	[tilespmem:s29], [sflag:$0x1] =	stream.indirect_vreg.gather [hbm4b:s8+s1], $0x80, v63, vm0, $0xb8;
	[tilespmem:$0x10080] =	vst v63  }
0x325: {  	s9 =	simm.s32 $0x9080;
	s19 =	sld [smem:$0x7B0]  }
0x326: {  	[tilespmem:s9], [sflag:$0x1] =	stream.indirect_vreg.gather [hbm4b:s17+s1], $0x80, v63, vm0, $0xb8;
	[tilespmem:$0x10080] =	vst v63  }
0x327: {  	s10 =	simm.s32 $0x9880;
	s20 =	sld [smem:$0x7B1]  }
0x328: {  	[tilespmem:s10], [sflag:$0x1] =	stream.indirect_vreg.gather [hbm4b:s19+s1], $0x80, v63, vm0, $0xb8;
	[tilespmem:$0x10080] =	vst v63  }
0x329: {  	s11 =	simm.s32 $0xA080;
	s28 =	sld [smem:$0x7B2]  }
0x32a: {  	[tilespmem:s11], [sflag:$0x1] =	stream.indirect_vreg.gather [hbm4b:s20+s1], $0x80, v63, vm0, $0xb8;
	[tilespmem:$0x10080] =	vst v63  }
0x32b: {  	s12 =	simm.s32 $0xA880;
	s30 =	sld [smem:$0x7B3]  }
0x32c: {  	[tilespmem:s12], [sflag:$0x1] =	stream.indirect_vreg.gather [hbm4b:s28+s1], $0x80, v63, vm0, $0xb8;
	[tilespmem:$0x10080] =	vst v63  }
0x32d: {  	s13 =	simm.s32 $0xB080;
	s31 =	sld [smem:$0x7B4]  }
0x32e: {  	[tilespmem:s13], [sflag:$0x1] =	stream.indirect_vreg.gather [hbm4b:s30+s1], $0x80, v63, vm0, $0xb8;
	[tilespmem:$0x10080] =	vst v63  }
0x32f: {  	s14 =	simm.s32 $0xB880  }
0x330: {  	[tilespmem:s14], [sflag:$0x1] =	stream.indirect_vreg.gather [hbm4b:s31+s1], $0x80, v63, vm0, $0xb8;
	[tilespmem:$0x10080] =	vst v63  }
0x331: {  	s16 =	simm.s32 $0xC080  }
0x332: {  	[tilespmem:s16], [sflag:$0x1] =	stream.indirect_vreg.gather [hbm4b:s7+s1], $0x80, v15, vm0, $0xb8;
	[tilespmem:$0x10080] =	vst v63  }
0x333: {  	s23 =	simm.s32 $0xC880  }
0x334: {  	[tilespmem:s23], [sflag:$0x1] =	stream.indirect_vreg.gather [hbm4b:s8+s1], $0x80, v15, vm0, $0xb8;
	[tilespmem:$0x10080] =	vst v63  }
0x335: {  	s18 =	simm.s32 $0xD080  }
0x336: {  	[tilespmem:s18], [sflag:$0x1] =	stream.indirect_vreg.gather [hbm4b:s17+s1], $0x80, v15, vm0, $0xb8;
	[tilespmem:$0x10080] =	vst v63  }
0x337: {  	s21 =	simm.s32 $0xD880  }
0x338: {  	[tilespmem:s21], [sflag:$0x1] =	stream.indirect_vreg.gather [hbm4b:s19+s1], $0x80, v15, vm0, $0xb8;
	[tilespmem:$0x10080] =	vst v63  }
0x339: {  	s25 =	simm.s32 $0xE080  }
0x33a: {  	[tilespmem:s25], [sflag:$0x1] =	stream.indirect_vreg.gather [hbm4b:s20+s1], $0x80, v15, vm0, $0xb8;
	[tilespmem:$0x10080] =	vst v63  }
0x33b: {  	s17 =	simm.s32 $0xE880  }
0x33c: {  	[tilespmem:s17], [sflag:$0x1] =	stream.indirect_vreg.gather [hbm4b:s28+s1], $0x80, v15, vm0, $0xb8;
	[tilespmem:$0x10080] =	vst v63  }
0x33d: {  	s19 =	simm.s32 $0xF080  }
0x33e: {  	[tilespmem:s19], [sflag:$0x1] =	stream.indirect_vreg.gather [hbm4b:s30+s1], $0x80, v15, vm0, $0xb8;
	[tilespmem:$0x10080] =	vst v63  }
0x33f: {  	s20 =	simm.s32 $0xF880  }
0x340: {  	[tilespmem:s20], [sflag:$0x1] =	stream.indirect_vreg.gather [hbm4b:s31+s1], $0x80, v15, vm0, $0xb8;
	[tilespmem:$0x10080] =	vst v63  }
0x341: {  	_ =	swait.ge [sflag:s22], $0x8000  }
0x342: {  	s6 =	sld [smem:$0x7B5]  }
0x343: {  	[sflag:s22] =	ssyncset.done $0x0  }
0x344: {  	s7 =	sld [smem:$0x7B6];
	[sflag:s22] =	ssyncadd.s32 $0xFFFF8000  }
0x345: {  	[hbm4b:s6+s1] =	stream.indirect_vreg.scatter [tilespmem:s15], [sflag:$0x2], $0x80, v8, vm0, $0xb8;
	[tilespmem:$0x10080] =	vst v63  }
0x346: {  	s8 =	sld [smem:$0x7B7]  }
0x347: {  	[hbm4b:s7+s1] =	stream.indirect_vreg.scatter [tilespmem:s29], [sflag:$0x2], $0x80, v8, vm0, $0xb8;
	[tilespmem:$0x10080] =	vst v63  }
0x348: {  	s15 =	sld [smem:$0x7B8]  }
0x349: {  	[hbm4b:s8+s1] =	stream.indirect_vreg.scatter [tilespmem:s9], [sflag:$0x2], $0x80, v8, vm0, $0xb8;
	[tilespmem:$0x10080] =	vst v63  }
0x34a: {  	s28 =	sld [smem:$0x7B9]  }
0x34b: {  	[hbm4b:s15+s1] =	stream.indirect_vreg.scatter [tilespmem:s10], [sflag:$0x2], $0x80, v8, vm0, $0xb8;
	[tilespmem:$0x10080] =	vst v63  }
0x34c: {  	s29 =	sld [smem:$0x7BA]  }
0x34d: {  	[hbm4b:s28+s1] =	stream.indirect_vreg.scatter [tilespmem:s11], [sflag:$0x2], $0x80, v8, vm0, $0xb8;
	[tilespmem:$0x10080] =	vst v63  }
0x34e: {  	s30 =	sld [smem:$0x7BB]  }
0x34f: {  	[hbm4b:s29+s1] =	stream.indirect_vreg.scatter [tilespmem:s12], [sflag:$0x2], $0x80, v8, vm0, $0xb8;
	[tilespmem:$0x10080] =	vst v63  }
0x350: {  	s31 =	sld [smem:$0x7BC]  }
0x351: {  	[hbm4b:s30+s1] =	stream.indirect_vreg.scatter [tilespmem:s13], [sflag:$0x2], $0x80, v8, vm0, $0xb8;
	[tilespmem:$0x10080] =	vst v63  }
0x352: {  	_ = 	snop  }
0x353: {  	[hbm4b:s31+s1] =	stream.indirect_vreg.scatter [tilespmem:s14], [sflag:$0x2], $0x80, v8, vm0, $0xb8;
	[tilespmem:$0x10080] =	vst v63  }
0x354: {  	_ = 	snop  }
0x355: {  	[hbm4b:s6+s1] =	stream.indirect_vreg.scatter [tilespmem:s16], [sflag:$0x2], $0x80, v9, vm0, $0xb8;
	[tilespmem:$0x10080] =	vst v63  }
0x356: {  	_ = 	snop  }
0x357: {  	[hbm4b:s7+s1] =	stream.indirect_vreg.scatter [tilespmem:s23], [sflag:$0x2], $0x80, v9, vm0, $0xb8;
	[tilespmem:$0x10080] =	vst v63  }
0x358: {  	_ = 	snop  }
0x359: {  	[hbm4b:s8+s1] =	stream.indirect_vreg.scatter [tilespmem:s18], [sflag:$0x2], $0x80, v9, vm0, $0xb8;
	[tilespmem:$0x10080] =	vst v63  }
0x35a: {  	_ = 	snop  }
0x35b: {  	[hbm4b:s15+s1] =	stream.indirect_vreg.scatter [tilespmem:s21], [sflag:$0x2], $0x80, v9, vm0, $0xb8;
	[tilespmem:$0x10080] =	vst v63  }
0x35c: {  	_ = 	snop  }
0x35d: {  	[hbm4b:s28+s1] =	stream.indirect_vreg.scatter [tilespmem:s25], [sflag:$0x2], $0x80, v9, vm0, $0xb8;
	[tilespmem:$0x10080] =	vst v63  }
0x35e: {  	_ = 	snop  }
0x35f: {  	[hbm4b:s29+s1] =	stream.indirect_vreg.scatter [tilespmem:s17], [sflag:$0x2], $0x80, v9, vm0, $0xb8;
	[tilespmem:$0x10080] =	vst v63  }
0x360: {  	_ = 	snop  }
0x361: {  	[hbm4b:s30+s1] =	stream.indirect_vreg.scatter [tilespmem:s19], [sflag:$0x2], $0x80, v9, vm0, $0xb8;
	[tilespmem:$0x10080] =	vst v63  }
0x362: {  	_ = 	snop  }
0x363: {  	[hbm4b:s31+s1] =	stream.indirect_vreg.scatter [tilespmem:s20], [sflag:$0x2], $0x80, v9, vm0, $0xb8;
	[tilespmem:$0x10080] =	vst v63  }
0x364: {  	_ =	swait.ge [sflag:s24], $0x8000  }
0x365: {  	s7 =	sld [smem:$0x7BD]  }
0x366: {  	[sflag:s24] =	ssyncset.done $0x0  }
0x367: {  	s15 =	simm.s32 $0x80;
	s8 =	sld [smem:$0x7BE];
	[sflag:s24] =	ssyncadd.s32 $0xFFFF8000  }
0x368: {  	[tilespmem:s15], [sflag:$0x1] =	stream.indirect_vreg.gather [hbm4b:s7+s1], $0x80, v63, vm0, $0xb8;
	[tilespmem:$0x10080] =	vst v63  }
0x369: {  	s10 =	simm.s32 $0x880;
	s9 =	sld [smem:$0x7BF]  }
0x36a: {  	[tilespmem:s10], [sflag:$0x1] =	stream.indirect_vreg.gather [hbm4b:s8+s1], $0x80, v63, vm0, $0xb8;
	[tilespmem:$0x10080] =	vst v63  }
0x36b: {  	s11 =	simm.s32 $0x1080;
	s19 =	sld [smem:$0x7C0]  }
0x36c: {  	[tilespmem:s11], [sflag:$0x1] =	stream.indirect_vreg.gather [hbm4b:s9+s1], $0x80, v63, vm0, $0xb8;
	[tilespmem:$0x10080] =	vst v63  }
0x36d: {  	s12 =	simm.s32 $0x1880;
	s25 =	sld [smem:$0x7C1]  }
0x36e: {  	[tilespmem:s12], [sflag:$0x1] =	stream.indirect_vreg.gather [hbm4b:s19+s1], $0x80, v63, vm0, $0xb8;
	[tilespmem:$0x10080] =	vst v63  }
0x36f: {  	s13 =	simm.s32 $0x2080;
	s28 =	sld [smem:$0x7C2]  }
0x370: {  	[tilespmem:s13], [sflag:$0x1] =	stream.indirect_vreg.gather [hbm4b:s25+s1], $0x80, v63, vm0, $0xb8;
	[tilespmem:$0x10080] =	vst v63  }
0x371: {  	s14 =	simm.s32 $0x2880;
	s29 =	sld [smem:$0x7C3]  }
0x372: {  	[tilespmem:s14], [sflag:$0x1] =	stream.indirect_vreg.gather [hbm4b:s28+s1], $0x80, v63, vm0, $0xb8;
	[tilespmem:$0x10080] =	vst v63  }
0x373: {  	s16 =	simm.s32 $0x3080;
	s31 =	sld [smem:$0x7C4]  }
0x374: {  	[tilespmem:s16], [sflag:$0x1] =	stream.indirect_vreg.gather [hbm4b:s29+s1], $0x80, v63, vm0, $0xb8;
	[tilespmem:$0x10080] =	vst v63  }
0x375: {  	s17 =	simm.s32 $0x3880  }
0x376: {  	[tilespmem:s17], [sflag:$0x1] =	stream.indirect_vreg.gather [hbm4b:s31+s1], $0x80, v63, vm0, $0xb8;
	[tilespmem:$0x10080] =	vst v63  }
0x377: {  	s18 =	simm.s32 $0x4080  }
0x378: {  	[tilespmem:s18], [sflag:$0x1] =	stream.indirect_vreg.gather [hbm4b:s7+s1], $0x80, v15, vm0, $0xb8;
	[tilespmem:$0x10080] =	vst v63  }
0x379: {  	s20 =	simm.s32 $0x4880  }
0x37a: {  	[tilespmem:s20], [sflag:$0x1] =	stream.indirect_vreg.gather [hbm4b:s8+s1], $0x80, v15, vm0, $0xb8;
	[tilespmem:$0x10080] =	vst v63  }
0x37b: {  	s21 =	simm.s32 $0x5080  }
0x37c: {  	[tilespmem:s21], [sflag:$0x1] =	stream.indirect_vreg.gather [hbm4b:s9+s1], $0x80, v15, vm0, $0xb8;
	[tilespmem:$0x10080] =	vst v63  }
0x37d: {  	s23 =	simm.s32 $0x5880  }
0x37e: {  	[tilespmem:s23], [sflag:$0x1] =	stream.indirect_vreg.gather [hbm4b:s19+s1], $0x80, v15, vm0, $0xb8;
	[tilespmem:$0x10080] =	vst v63  }
0x37f: {  	s30 =	simm.s32 $0x6080  }
0x380: {  	[tilespmem:s30], [sflag:$0x1] =	stream.indirect_vreg.gather [hbm4b:s25+s1], $0x80, v15, vm0, $0xb8;
	[tilespmem:$0x10080] =	vst v63  }
0x381: {  	_ = 	snop  }
0x382: {  	[tilespmem:s26], [sflag:$0x1] =	stream.indirect_vreg.gather [hbm4b:s28+s1], $0x80, v15, vm0, $0xb8;
	[tilespmem:$0x10080] =	vst v63  }
0x383: {  	s19 =	simm.s32 $0x7080  }
0x384: {  	[tilespmem:s19], [sflag:$0x1] =	stream.indirect_vreg.gather [hbm4b:s29+s1], $0x80, v15, vm0, $0xb8;
	[tilespmem:$0x10080] =	vst v63  }
0x385: {  	s9 =	simm.s32 $0x7880  }
0x386: {  	[tilespmem:s9], [sflag:$0x1] =	stream.indirect_vreg.gather [hbm4b:s31+s1], $0x80, v15, vm0, $0xb8;
	[tilespmem:$0x10080] =	vst v63  }
0x387: {  	_ =	swait.ge [sflag:s22], $0x8000  }
0x388: {  	s7 =	sld [smem:$0x7C5]  }
0x389: {  	[sflag:s22] =	ssyncset.done $0x0  }
0x38a: {  	s8 =	sld [smem:$0x7C6];
	[sflag:s22] =	ssyncadd.s32 $0xFFFF8000  }
0x38b: {  	[hbm4b:s7+s1] =	stream.indirect_vreg.scatter [tilespmem:s15], [sflag:$0x2], $0x80, v8, vm0, $0xb8;
	[tilespmem:$0x10080] =	vst v63  }
0x38c: {  	_ = 	snop  }
0x38d: {  	[hbm4b:s8+s1] =	stream.indirect_vreg.scatter [tilespmem:s10], [sflag:$0x2], $0x80, v8, vm0, $0xb8;
	[tilespmem:$0x10080] =	vst v63  }
0x38e: {  	s10 =	sld [smem:$0x7C7];
	_ =	sdelay $0x2  }
0x38f: {  	[hbm4b:s10+s1] =	stream.indirect_vreg.scatter [tilespmem:s11], [sflag:$0x2], $0x80, v8, vm0, $0xb8;
	[tilespmem:$0x10080] =	vst v63  }
0x390: {  	s11 =	sld [smem:$0x7C8];
	_ =	sdelay $0x2  }
0x391: {  	[hbm4b:s11+s1] =	stream.indirect_vreg.scatter [tilespmem:s12], [sflag:$0x2], $0x80, v8, vm0, $0xb8;
	[tilespmem:$0x10080] =	vst v63  }
0x392: {  	s12 =	sld [smem:$0x7C9];
	_ =	sdelay $0x2  }
0x393: {  	[hbm4b:s12+s1] =	stream.indirect_vreg.scatter [tilespmem:s13], [sflag:$0x2], $0x80, v8, vm0, $0xb8;
	[tilespmem:$0x10080] =	vst v63  }
0x394: {  	s13 =	sld [smem:$0x7CA];
	_ =	sdelay $0x1  }
0x395: {  	s15 =	sld [smem:$0x7CB]  }
0x396: {  	[hbm4b:s13+s1] =	stream.indirect_vreg.scatter [tilespmem:s14], [sflag:$0x2], $0x80, v8, vm0, $0xb8;
	[tilespmem:$0x10080] =	vst v63  }
0x397: {  	s31 =	sld [smem:$0x7CC]  }
0x398: {  	[hbm4b:s15+s1] =	stream.indirect_vreg.scatter [tilespmem:s16], [sflag:$0x2], $0x80, v8, vm0, $0xb8;
	[tilespmem:$0x10080] =	vst v63  }
0x399: {  	_ = 	snop  }
0x39a: {  	[hbm4b:s31+s1] =	stream.indirect_vreg.scatter [tilespmem:s17], [sflag:$0x2], $0x80, v8, vm0, $0xb8;
	[tilespmem:$0x10080] =	vst v63  }
0x39b: {  	_ = 	snop  }
0x39c: {  	[hbm4b:s7+s1] =	stream.indirect_vreg.scatter [tilespmem:s18], [sflag:$0x2], $0x80, v9, vm0, $0xb8;
	[tilespmem:$0x10080] =	vst v63  }
0x39d: {  	_ = 	snop  }
0x39e: {  	[hbm4b:s8+s1] =	stream.indirect_vreg.scatter [tilespmem:s20], [sflag:$0x2], $0x80, v9, vm0, $0xb8;
	[tilespmem:$0x10080] =	vst v63  }
0x39f: {  	_ = 	snop  }
0x3a0: {  	[hbm4b:s10+s1] =	stream.indirect_vreg.scatter [tilespmem:s21], [sflag:$0x2], $0x80, v9, vm0, $0xb8;
	[tilespmem:$0x10080] =	vst v63  }
0x3a1: {  	_ = 	snop  }
0x3a2: {  	[hbm4b:s11+s1] =	stream.indirect_vreg.scatter [tilespmem:s23], [sflag:$0x2], $0x80, v9, vm0, $0xb8;
	[tilespmem:$0x10080] =	vst v63  }
0x3a3: {  	_ = 	snop  }
0x3a4: {  	[hbm4b:s12+s1] =	stream.indirect_vreg.scatter [tilespmem:s30], [sflag:$0x2], $0x80, v9, vm0, $0xb8;
	[tilespmem:$0x10080] =	vst v63  }
0x3a5: {  	_ = 	snop  }
0x3a6: {  	[hbm4b:s13+s1] =	stream.indirect_vreg.scatter [tilespmem:s26], [sflag:$0x2], $0x80, v9, vm0, $0xb8;
	[tilespmem:$0x10080] =	vst v63  }
0x3a7: {  	_ = 	snop  }
0x3a8: {  	[hbm4b:s15+s1] =	stream.indirect_vreg.scatter [tilespmem:s19], [sflag:$0x2], $0x80, v9, vm0, $0xb8;
	[tilespmem:$0x10080] =	vst v63  }
0x3a9: {  	_ = 	snop  }
0x3aa: {  	[hbm4b:s31+s1] =	stream.indirect_vreg.scatter [tilespmem:s9], [sflag:$0x2], $0x80, v9, vm0, $0xb8;
	[tilespmem:$0x10080] =	vst v63  }
0x3ab: {  	_ =	swait.ge [sflag:s24], $0x8000  }
0x3ac: {  	s5 =	sld [smem:$0x7CD]  }
0x3ad: {  	[sflag:s24] =	ssyncset.done $0x0  }
0x3ae: {  	s20 =	simm.s32 $0x8080;
	s6 =	sld [smem:$0x7CE];
	[sflag:s24] =	ssyncadd.s32 $0xFFFF8000  }
0x3af: {  	[tilespmem:s20], [sflag:$0x1] =	stream.indirect_vreg.gather [hbm4b:s5+s1], $0x80, v63, vm0, $0xb8;
	[tilespmem:$0x10080] =	vst v63  }
0x3b0: {  	s30 =	simm.s32 $0x8880;
	s7 =	sld [smem:$0x7CF]  }
0x3b1: {  	[tilespmem:s30], [sflag:$0x1] =	stream.indirect_vreg.gather [hbm4b:s6+s1], $0x80, v63, vm0, $0xb8;
	[tilespmem:$0x10080] =	vst v63  }
0x3b2: {  	s19 =	simm.s32 $0x9080;
	s9 =	sld [smem:$0x7D0]  }
0x3b3: {  	[tilespmem:s19], [sflag:$0x1] =	stream.indirect_vreg.gather [hbm4b:s7+s1], $0x80, v63, vm0, $0xb8;
	[tilespmem:$0x10080] =	vst v63  }
0x3b4: {  	s10 =	simm.s32 $0x9880;
	s16 =	sld [smem:$0x7D1]  }
0x3b5: {  	[tilespmem:s10], [sflag:$0x1] =	stream.indirect_vreg.gather [hbm4b:s9+s1], $0x80, v63, vm0, $0xb8;
	[tilespmem:$0x10080] =	vst v63  }
0x3b6: {  	s11 =	simm.s32 $0xA080;
	s18 =	sld [smem:$0x7D2]  }
0x3b7: {  	[tilespmem:s11], [sflag:$0x1] =	stream.indirect_vreg.gather [hbm4b:s16+s1], $0x80, v63, vm0, $0xb8;
	[tilespmem:$0x10080] =	vst v63  }
0x3b8: {  	s12 =	simm.s32 $0xA880;
	s21 =	sld [smem:$0x7D3]  }
0x3b9: {  	[tilespmem:s12], [sflag:$0x1] =	stream.indirect_vreg.gather [hbm4b:s18+s1], $0x80, v63, vm0, $0xb8;
	[tilespmem:$0x10080] =	vst v63  }
0x3ba: {  	s13 =	simm.s32 $0xB080;
	s8 =	sld [smem:$0x7D4]  }
0x3bb: {  	[tilespmem:s13], [sflag:$0x1] =	stream.indirect_vreg.gather [hbm4b:s21+s1], $0x80, v63, vm0, $0xb8;
	[tilespmem:$0x10080] =	vst v63  }
0x3bc: {  	s14 =	simm.s32 $0xB880  }
0x3bd: {  	[tilespmem:s14], [sflag:$0x1] =	stream.indirect_vreg.gather [hbm4b:s8+s1], $0x80, v63, vm0, $0xb8;
	[tilespmem:$0x10080] =	vst v63  }
0x3be: {  	s15 =	simm.s32 $0xC080  }
0x3bf: {  	[tilespmem:s15], [sflag:$0x1] =	stream.indirect_vreg.gather [hbm4b:s5+s1], $0x80, v15, vm0, $0xb8;
	[tilespmem:$0x10080] =	vst v63  }
0x3c0: {  	s31 =	simm.s32 $0xC880  }
0x3c1: {  	[tilespmem:s31], [sflag:$0x1] =	stream.indirect_vreg.gather [hbm4b:s6+s1], $0x80, v15, vm0, $0xb8;
	[tilespmem:$0x10080] =	vst v63  }
0x3c2: {  	s17 =	simm.s32 $0xD080  }
0x3c3: {  	[tilespmem:s17], [sflag:$0x1] =	stream.indirect_vreg.gather [hbm4b:s7+s1], $0x80, v15, vm0, $0xb8;
	[tilespmem:$0x10080] =	vst v63  }
0x3c4: {  	s23 =	simm.s32 $0xD880  }
0x3c5: {  	[tilespmem:s23], [sflag:$0x1] =	stream.indirect_vreg.gather [hbm4b:s9+s1], $0x80, v15, vm0, $0xb8;
	[tilespmem:$0x10080] =	vst v63  }
0x3c6: {  	s9 =	simm.s32 $0xE080  }
0x3c7: {  	[tilespmem:s9], [sflag:$0x1] =	stream.indirect_vreg.gather [hbm4b:s16+s1], $0x80, v15, vm0, $0xb8;
	[tilespmem:$0x10080] =	vst v63  }
0x3c8: {  	s16 =	simm.s32 $0xE880  }
0x3c9: {  	[tilespmem:s16], [sflag:$0x1] =	stream.indirect_vreg.gather [hbm4b:s18+s1], $0x80, v15, vm0, $0xb8;
	[tilespmem:$0x10080] =	vst v63  }
0x3ca: {  	s18 =	simm.s32 $0xF080  }
0x3cb: {  	[tilespmem:s18], [sflag:$0x1] =	stream.indirect_vreg.gather [hbm4b:s21+s1], $0x80, v15, vm0, $0xb8;
	[tilespmem:$0x10080] =	vst v63  }
0x3cc: {  	s21 =	simm.s32 $0xF880  }
0x3cd: {  	[tilespmem:s21], [sflag:$0x1] =	stream.indirect_vreg.gather [hbm4b:s8+s1], $0x80, v15, vm0, $0xb8;
	[tilespmem:$0x10080] =	vst v63  }
0x3ce: {  	_ =	swait.ge [sflag:s22], $0x8000  }
0x3cf: {  	s5 =	sld [smem:$0x7D5]  }
0x3d0: {  	[sflag:s22] =	ssyncset.done $0x0  }
0x3d1: {  	s6 =	sld [smem:$0x7D6];
	[sflag:s22] =	ssyncadd.s32 $0xFFFF8000  }
0x3d2: {  	[hbm4b:s5+s1] =	stream.indirect_vreg.scatter [tilespmem:s20], [sflag:$0x2], $0x80, v8, vm0, $0xb8;
	[tilespmem:$0x10080] =	vst v63  }
0x3d3: {  	s7 =	sld [smem:$0x7D7]  }
0x3d4: {  	[hbm4b:s6+s1] =	stream.indirect_vreg.scatter [tilespmem:s30], [sflag:$0x2], $0x80, v8, vm0, $0xb8;
	[tilespmem:$0x10080] =	vst v63  }
0x3d5: {  	s8 =	sld [smem:$0x7D8]  }
0x3d6: {  	[hbm4b:s7+s1] =	stream.indirect_vreg.scatter [tilespmem:s19], [sflag:$0x2], $0x80, v8, vm0, $0xb8;
	[tilespmem:$0x10080] =	vst v63  }
0x3d7: {  	_ = 	snop  }
0x3d8: {  	[hbm4b:s8+s1] =	stream.indirect_vreg.scatter [tilespmem:s10], [sflag:$0x2], $0x80, v8, vm0, $0xb8;
	[tilespmem:$0x10080] =	vst v63  }
0x3d9: {  	s10 =	sld [smem:$0x7D9];
	_ =	sdelay $0x2  }
0x3da: {  	[hbm4b:s10+s1] =	stream.indirect_vreg.scatter [tilespmem:s11], [sflag:$0x2], $0x80, v8, vm0, $0xb8;
	[tilespmem:$0x10080] =	vst v63  }
0x3db: {  	s11 =	sld [smem:$0x7DA];
	_ =	sdelay $0x1  }
0x3dc: {  	s19 =	sld [smem:$0x7DB]  }
0x3dd: {  	[hbm4b:s11+s1] =	stream.indirect_vreg.scatter [tilespmem:s12], [sflag:$0x2], $0x80, v8, vm0, $0xb8;
	[tilespmem:$0x10080] =	vst v63  }
0x3de: {  	s20 =	sld [smem:$0x7DC]  }
0x3df: {  	[hbm4b:s19+s1] =	stream.indirect_vreg.scatter [tilespmem:s13], [sflag:$0x2], $0x80, v8, vm0, $0xb8;
	[tilespmem:$0x10080] =	vst v63  }
0x3e0: {  	_ = 	snop  }
0x3e1: {  	[hbm4b:s20+s1] =	stream.indirect_vreg.scatter [tilespmem:s14], [sflag:$0x2], $0x80, v8, vm0, $0xb8;
	[tilespmem:$0x10080] =	vst v63  }
0x3e2: {  	_ = 	snop  }
0x3e3: {  	[hbm4b:s5+s1] =	stream.indirect_vreg.scatter [tilespmem:s15], [sflag:$0x2], $0x80, v9, vm0, $0xb8;
	[tilespmem:$0x10080] =	vst v63  }
0x3e4: {  	_ = 	snop  }
0x3e5: {  	[hbm4b:s6+s1] =	stream.indirect_vreg.scatter [tilespmem:s31], [sflag:$0x2], $0x80, v9, vm0, $0xb8;
	[tilespmem:$0x10080] =	vst v63  }
0x3e6: {  	_ = 	snop  }
0x3e7: {  	[hbm4b:s7+s1] =	stream.indirect_vreg.scatter [tilespmem:s17], [sflag:$0x2], $0x80, v9, vm0, $0xb8;
	[tilespmem:$0x10080] =	vst v63  }
0x3e8: {  	_ = 	snop  }
0x3e9: {  	[hbm4b:s8+s1] =	stream.indirect_vreg.scatter [tilespmem:s23], [sflag:$0x2], $0x80, v9, vm0, $0xb8;
	[tilespmem:$0x10080] =	vst v63  }
0x3ea: {  	_ = 	snop  }
0x3eb: {  	[hbm4b:s10+s1] =	stream.indirect_vreg.scatter [tilespmem:s9], [sflag:$0x2], $0x80, v9, vm0, $0xb8;
	[tilespmem:$0x10080] =	vst v63  }
0x3ec: {  	_ = 	snop  }
0x3ed: {  	[hbm4b:s11+s1] =	stream.indirect_vreg.scatter [tilespmem:s16], [sflag:$0x2], $0x80, v9, vm0, $0xb8;
	[tilespmem:$0x10080] =	vst v63  }
0x3ee: {  	_ = 	snop  }
0x3ef: {  	[hbm4b:s19+s1] =	stream.indirect_vreg.scatter [tilespmem:s18], [sflag:$0x2], $0x80, v9, vm0, $0xb8;
	[tilespmem:$0x10080] =	vst v63  }
0x3f0: {  	_ = 	snop  }
0x3f1: {  	[hbm4b:s20+s1] =	stream.indirect_vreg.scatter [tilespmem:s21], [sflag:$0x2], $0x80, v9, vm0, $0xb8;
	[tilespmem:$0x10080] =	vst v63  }
0x3f2: {  	_ =	swait.ge [sflag:s24], $0x8000  }
0x3f3: {  	s3 =	sld [smem:$0x7DD]  }
0x3f4: {  	[sflag:s24] =	ssyncset.done $0x0  }
0x3f5: {  	s11 =	simm.s32 $0x80;
	s4 =	sld [smem:$0x7DE];
	[sflag:s24] =	ssyncadd.s32 $0xFFFF8000  }
0x3f6: {  	[tilespmem:s11], [sflag:$0x1] =	stream.indirect_vreg.gather [hbm4b:s3+s1], $0x80, v63, vm0, $0xb8;
	[tilespmem:$0x10080] =	vst v63  }
0x3f7: {  	s25 =	simm.s32 $0x880;
	s5 =	sld [smem:$0x7DF]  }
0x3f8: {  	[tilespmem:s25], [sflag:$0x1] =	stream.indirect_vreg.gather [hbm4b:s4+s1], $0x80, v63, vm0, $0xb8;
	[tilespmem:$0x10080] =	vst v63  }
0x3f9: {  	s28 =	simm.s32 $0x1080;
	s6 =	sld [smem:$0x7E0]  }
0x3fa: {  	[tilespmem:s28], [sflag:$0x1] =	stream.indirect_vreg.gather [hbm4b:s5+s1], $0x80, v63, vm0, $0xb8;
	[tilespmem:$0x10080] =	vst v63  }
0x3fb: {  	s29 =	simm.s32 $0x1880;
	s7 =	sld [smem:$0x7E1]  }
0x3fc: {  	[tilespmem:s29], [sflag:$0x1] =	stream.indirect_vreg.gather [hbm4b:s6+s1], $0x80, v63, vm0, $0xb8;
	[tilespmem:$0x10080] =	vst v63  }
0x3fd: {  	s9 =	simm.s32 $0x2080;
	s15 =	sld [smem:$0x7E2]  }
0x3fe: {  	[tilespmem:s9], [sflag:$0x1] =	stream.indirect_vreg.gather [hbm4b:s7+s1], $0x80, v63, vm0, $0xb8;
	[tilespmem:$0x10080] =	vst v63  }
0x3ff: {  	s10 =	simm.s32 $0x2880;
	s20 =	sld [smem:$0x7E3]  }
0x400: {  	[tilespmem:s10], [sflag:$0x1] =	stream.indirect_vreg.gather [hbm4b:s15+s1], $0x80, v63, vm0, $0xb8;
	[tilespmem:$0x10080] =	vst v63  }
0x401: {  	s12 =	simm.s32 $0x3080;
	s8 =	sld [smem:$0x7E4]  }
0x402: {  	[tilespmem:s12], [sflag:$0x1] =	stream.indirect_vreg.gather [hbm4b:s20+s1], $0x80, v63, vm0, $0xb8;
	[tilespmem:$0x10080] =	vst v63  }
0x403: {  	s13 =	simm.s32 $0x3880  }
0x404: {  	[tilespmem:s13], [sflag:$0x1] =	stream.indirect_vreg.gather [hbm4b:s8+s1], $0x80, v63, vm0, $0xb8;
	[tilespmem:$0x10080] =	vst v63  }
0x405: {  	s14 =	simm.s32 $0x4080  }
0x406: {  	[tilespmem:s14], [sflag:$0x1] =	stream.indirect_vreg.gather [hbm4b:s3+s1], $0x80, v15, vm0, $0xb8;
	[tilespmem:$0x10080] =	vst v63  }
0x407: {  	s16 =	simm.s32 $0x4880  }
0x408: {  	[tilespmem:s16], [sflag:$0x1] =	stream.indirect_vreg.gather [hbm4b:s4+s1], $0x80, v15, vm0, $0xb8;
	[tilespmem:$0x10080] =	vst v63  }
0x409: {  	s17 =	simm.s32 $0x5080  }
0x40a: {  	[tilespmem:s17], [sflag:$0x1] =	stream.indirect_vreg.gather [hbm4b:s5+s1], $0x80, v15, vm0, $0xb8;
	[tilespmem:$0x10080] =	vst v63  }
0x40b: {  	s18 =	simm.s32 $0x5880  }
0x40c: {  	[tilespmem:s18], [sflag:$0x1] =	stream.indirect_vreg.gather [hbm4b:s6+s1], $0x80, v15, vm0, $0xb8;
	[tilespmem:$0x10080] =	vst v63  }
0x40d: {  	s19 =	simm.s32 $0x6080  }
0x40e: {  	[tilespmem:s19], [sflag:$0x1] =	stream.indirect_vreg.gather [hbm4b:s7+s1], $0x80, v15, vm0, $0xb8;
	[tilespmem:$0x10080] =	vst v63  }
0x40f: {  	_ = 	snop  }
0x410: {  	[tilespmem:s26], [sflag:$0x1] =	stream.indirect_vreg.gather [hbm4b:s15+s1], $0x80, v15, vm0, $0xb8;
	[tilespmem:$0x10080] =	vst v63  }
0x411: {  	s15 =	simm.s32 $0x7080  }
0x412: {  	[tilespmem:s15], [sflag:$0x1] =	stream.indirect_vreg.gather [hbm4b:s20+s1], $0x80, v15, vm0, $0xb8;
	[tilespmem:$0x10080] =	vst v63  }
0x413: {  	s20 =	simm.s32 $0x7880  }
0x414: {  	[tilespmem:s20], [sflag:$0x1] =	stream.indirect_vreg.gather [hbm4b:s8+s1], $0x80, v15, vm0, $0xb8;
	[tilespmem:$0x10080] =	vst v63  }
0x415: {  	_ =	swait.ge [sflag:s22], $0x8000  }
0x416: {  	s5 =	sld [smem:$0x7E5]  }
0x417: {  	[sflag:s22] =	ssyncset.done $0x0  }
0x418: {  	s6 =	sld [smem:$0x7E6];
	[sflag:s22] =	ssyncadd.s32 $0xFFFF8000  }
0x419: {  	[hbm4b:s5+s1] =	stream.indirect_vreg.scatter [tilespmem:s11], [sflag:$0x2], $0x80, v8, vm0, $0xb8;
	[tilespmem:$0x10080] =	vst v63  }
0x41a: {  	s7 =	sld [smem:$0x7E7]  }
0x41b: {  	[hbm4b:s6+s1] =	stream.indirect_vreg.scatter [tilespmem:s25], [sflag:$0x2], $0x80, v8, vm0, $0xb8;
	[tilespmem:$0x10080] =	vst v63  }
0x41c: {  	s8 =	sld [smem:$0x7E9]  }
0x41d: {  	[hbm4b:s7+s1] =	stream.indirect_vreg.scatter [tilespmem:s28], [sflag:$0x2], $0x80, v8, vm0, $0xb8;
	[tilespmem:$0x10080] =	vst v63  }
0x41e: {  	s11 =	sld [smem:$0x7EA]  }
0x41f: {  	[hbm4b:s8+s1] =	stream.indirect_vreg.scatter [tilespmem:s29], [sflag:$0x2], $0x80, v8, vm0, $0xb8;
	[tilespmem:$0x10080] =	vst v63  }
0x420: {  	s25 =	sld [smem:$0x7EB]  }
0x421: {  	[hbm4b:s11+s1] =	stream.indirect_vreg.scatter [tilespmem:s9], [sflag:$0x2], $0x80, v8, vm0, $0xb8;
	[tilespmem:$0x10080] =	vst v63  }
0x422: {  	s28 =	sld [smem:$0x7EC]  }
0x423: {  	[hbm4b:s25+s1] =	stream.indirect_vreg.scatter [tilespmem:s10], [sflag:$0x2], $0x80, v8, vm0, $0xb8;
	[tilespmem:$0x10080] =	vst v63  }
0x424: {  	s29 =	sld [smem:$0x7ED]  }
0x425: {  	[hbm4b:s28+s1] =	stream.indirect_vreg.scatter [tilespmem:s12], [sflag:$0x2], $0x80, v8, vm0, $0xb8;
	[tilespmem:$0x10080] =	vst v63  }
0x426: {  	_ = 	snop  }
0x427: {  	[hbm4b:s29+s1] =	stream.indirect_vreg.scatter [tilespmem:s13], [sflag:$0x2], $0x80, v8, vm0, $0xb8;
	[tilespmem:$0x10080] =	vst v63  }
0x428: {  	_ = 	snop  }
0x429: {  	[hbm4b:s5+s1] =	stream.indirect_vreg.scatter [tilespmem:s14], [sflag:$0x2], $0x80, v9, vm0, $0xb8;
	[tilespmem:$0x10080] =	vst v63  }
0x42a: {  	_ = 	snop  }
0x42b: {  	[hbm4b:s6+s1] =	stream.indirect_vreg.scatter [tilespmem:s16], [sflag:$0x2], $0x80, v9, vm0, $0xb8;
	[tilespmem:$0x10080] =	vst v63  }
0x42c: {  	_ = 	snop  }
0x42d: {  	[hbm4b:s7+s1] =	stream.indirect_vreg.scatter [tilespmem:s17], [sflag:$0x2], $0x80, v9, vm0, $0xb8;
	[tilespmem:$0x10080] =	vst v63  }
0x42e: {  	_ = 	snop  }
0x42f: {  	[hbm4b:s8+s1] =	stream.indirect_vreg.scatter [tilespmem:s18], [sflag:$0x2], $0x80, v9, vm0, $0xb8;
	[tilespmem:$0x10080] =	vst v63  }
0x430: {  	_ = 	snop  }
0x431: {  	[hbm4b:s11+s1] =	stream.indirect_vreg.scatter [tilespmem:s19], [sflag:$0x2], $0x80, v9, vm0, $0xb8;
	[tilespmem:$0x10080] =	vst v63  }
0x432: {  	_ = 	snop  }
0x433: {  	[hbm4b:s25+s1] =	stream.indirect_vreg.scatter [tilespmem:s26], [sflag:$0x2], $0x80, v9, vm0, $0xb8;
	[tilespmem:$0x10080] =	vst v63  }
0x434: {  	v13 =	vor.u32 v10, v13  }
0x435: {  	v14 =	vperm.xlane v13, v5;
	[hbm4b:s28+s1] =	stream.indirect_vreg.scatter [tilespmem:s15], [sflag:$0x2], $0x80, v9, vm0, $0xb8;
	[tilespmem:$0x10080] =	vst v63  }
0x436: {  	_ = 	snop  }
0x437: {  	v14 =	vadd.s32 v6, v14;
	[hbm4b:s29+s1] =	stream.indirect_vreg.scatter [tilespmem:s20], [sflag:$0x2], $0x80, v9, vm0, $0xb8;
	[tilespmem:$0x10080] =	vst v63  }
0x438: {  	_ =	swait.ge [sflag:s24], $0x8000  }
0x439: {  	s8 =	sld [smem:$0x7EE]  }
0x43a: {  	[sflag:s24] =	ssyncset.done $0x0  }
0x43b: {  	s20 =	simm.s32 $0x8080;
	s9 =	sld [smem:$0x7EF];
	[sflag:s24] =	ssyncadd.s32 $0xFFFF8000  }
0x43c: {  	[tilespmem:s20], [sflag:$0x1] =	stream.indirect_vreg.gather [hbm4b:s8+s1], $0x80, v14, vm0, $0xb8;
	[tilespmem:$0x10080] =	vst v63  }
0x43d: {  	s30 =	simm.s32 $0x8880;
	s16 =	sld [smem:$0x7F0]  }
0x43e: {  	[tilespmem:s30], [sflag:$0x1] =	stream.indirect_vreg.gather [hbm4b:s9+s1], $0x80, v14, vm0, $0xb8;
	[tilespmem:$0x10080] =	vst v63  }
0x43f: {  	s19 =	simm.s32 $0x9080;
	s18 =	sld [smem:$0x7F1]  }
0x440: {  	[tilespmem:s19], [sflag:$0x1] =	stream.indirect_vreg.gather [hbm4b:s16+s1], $0x80, v14, vm0, $0xb8;
	[tilespmem:$0x10080] =	vst v63  }
0x441: {  	s10 =	simm.s32 $0x9880;
	s25 =	sld [smem:$0x7F2]  }
0x442: {  	[tilespmem:s10], [sflag:$0x1] =	stream.indirect_vreg.gather [hbm4b:s18+s1], $0x80, v14, vm0, $0xb8;
	[tilespmem:$0x10080] =	vst v63  }
0x443: {  	s11 =	simm.s32 $0xA080;
	s26 =	sld [smem:$0x7F3]  }
0x444: {  	[tilespmem:s11], [sflag:$0x1] =	stream.indirect_vreg.gather [hbm4b:s25+s1], $0x80, v14, vm0, $0xb8;
	[tilespmem:$0x10080] =	vst v63  }
0x445: {  	v13 =	vperm.xlane v13, v7;
	s12 =	simm.s32 $0xA880;
	s28 =	sld [smem:$0x7F4]  }
0x446: {  	[tilespmem:s12], [sflag:$0x1] =	stream.indirect_vreg.gather [hbm4b:s26+s1], $0x80, v14, vm0, $0xb8;
	[tilespmem:$0x10080] =	vst v63  }
0x447: {  	v13 =	vadd.s32 v6, v13;
	s13 =	simm.s32 $0xB080;
	s29 =	sld [smem:$0x7F5]  }
0x448: {  	[tilespmem:s13], [sflag:$0x1] =	stream.indirect_vreg.gather [hbm4b:s28+s1], $0x80, v14, vm0, $0xb8;
	[tilespmem:$0x10080] =	vst v63  }
0x449: {  	s14 =	simm.s32 $0xB880  }
0x44a: {  	[tilespmem:s14], [sflag:$0x1] =	stream.indirect_vreg.gather [hbm4b:s29+s1], $0x80, v14, vm0, $0xb8;
	[tilespmem:$0x10080] =	vst v63  }
0x44b: {  	s15 =	simm.s32 $0xC080  }
0x44c: {  	[tilespmem:s15], [sflag:$0x1] =	stream.indirect_vreg.gather [hbm4b:s8+s1], $0x80, v13, vm0, $0xb8;
	[tilespmem:$0x10080] =	vst v63  }
0x44d: {  	s31 =	simm.s32 $0xC880  }
0x44e: {  	[tilespmem:s31], [sflag:$0x1] =	stream.indirect_vreg.gather [hbm4b:s9+s1], $0x80, v13, vm0, $0xb8;
	[tilespmem:$0x10080] =	vst v63  }
0x44f: {  	s17 =	simm.s32 $0xD080  }
0x450: {  	[tilespmem:s17], [sflag:$0x1] =	stream.indirect_vreg.gather [hbm4b:s16+s1], $0x80, v13, vm0, $0xb8;
	[tilespmem:$0x10080] =	vst v63  }
0x451: {  	s23 =	simm.s32 $0xD880  }
0x452: {  	[tilespmem:s23], [sflag:$0x1] =	stream.indirect_vreg.gather [hbm4b:s18+s1], $0x80, v13, vm0, $0xb8;
	[tilespmem:$0x10080] =	vst v63  }
0x453: {  	s9 =	simm.s32 $0xE080  }
0x454: {  	[tilespmem:s9], [sflag:$0x1] =	stream.indirect_vreg.gather [hbm4b:s25+s1], $0x80, v13, vm0, $0xb8;
	[tilespmem:$0x10080] =	vst v63  }
0x455: {  	s16 =	simm.s32 $0xE880  }
0x456: {  	[tilespmem:s16], [sflag:$0x1] =	stream.indirect_vreg.gather [hbm4b:s26+s1], $0x80, v13, vm0, $0xb8;
	[tilespmem:$0x10080] =	vst v63  }
0x457: {  	s18 =	simm.s32 $0xF080  }
0x458: {  	[tilespmem:s18], [sflag:$0x1] =	stream.indirect_vreg.gather [hbm4b:s28+s1], $0x80, v13, vm0, $0xb8;
	[tilespmem:$0x10080] =	vst v63  }
0x459: {  	s21 =	simm.s32 $0xF880  }
0x45a: {  	[tilespmem:s21], [sflag:$0x1] =	stream.indirect_vreg.gather [hbm4b:s29+s1], $0x80, v13, vm0, $0xb8;
	[tilespmem:$0x10080] =	vst v63  }
0x45b: {  	_ =	swait.ge [sflag:s22], $0x8000  }
0x45c: {  	s8 =	sld [smem:$0x7F6]  }
0x45d: {  	[sflag:s22] =	ssyncset.done $0x0  }
0x45e: {  	[sflag:s22] =	ssyncadd.s32 $0xFFFF8000  }
0x45f: {  	[hbm4b:s8+s1] =	stream.indirect_vreg.scatter [tilespmem:s20], [sflag:$0x2], $0x80, v11, vm0, $0xb8;
	[tilespmem:$0x10080] =	vst v63  }
0x460: {  	s20 =	sld [smem:$0x7F7];
	_ =	sdelay $0x1  }
0x461: {  	s22 =	sld [smem:$0x7F8]  }
0x462: {  	[hbm4b:s20+s1] =	stream.indirect_vreg.scatter [tilespmem:s30], [sflag:$0x2], $0x80, v11, vm0, $0xb8;
	[tilespmem:$0x10080] =	vst v63  }
0x463: {  	s25 =	sld [smem:$0x7F9]  }
0x464: {  	[hbm4b:s22+s1] =	stream.indirect_vreg.scatter [tilespmem:s19], [sflag:$0x2], $0x80, v11, vm0, $0xb8;
	[tilespmem:$0x10080] =	vst v63  }
0x465: {  	s26 =	sld [smem:$0x7FA]  }
0x466: {  	[hbm4b:s25+s1] =	stream.indirect_vreg.scatter [tilespmem:s10], [sflag:$0x2], $0x80, v11, vm0, $0xb8;
	[tilespmem:$0x10080] =	vst v63  }
0x467: {  	s28 =	sld [smem:$0x7FB]  }
0x468: {  	[hbm4b:s26+s1] =	stream.indirect_vreg.scatter [tilespmem:s11], [sflag:$0x2], $0x80, v11, vm0, $0xb8;
	[tilespmem:$0x10080] =	vst v63  }
0x469: {  	s29 =	sld [smem:$0x7FC]  }
0x46a: {  	[hbm4b:s28+s1] =	stream.indirect_vreg.scatter [tilespmem:s12], [sflag:$0x2], $0x80, v11, vm0, $0xb8;
	[tilespmem:$0x10080] =	vst v63  }
0x46b: {  	s30 =	sld [smem:$0x7FD]  }
0x46c: {  	[hbm4b:s29+s1] =	stream.indirect_vreg.scatter [tilespmem:s13], [sflag:$0x2], $0x80, v11, vm0, $0xb8;
	[tilespmem:$0x10080] =	vst v63  }
0x46d: {  	_ = 	snop  }
0x46e: {  	[hbm4b:s30+s1] =	stream.indirect_vreg.scatter [tilespmem:s14], [sflag:$0x2], $0x80, v11, vm0, $0xb8;
	[tilespmem:$0x10080] =	vst v63  }
0x46f: {  	_ = 	snop  }
0x470: {  	[hbm4b:s8+s1] =	stream.indirect_vreg.scatter [tilespmem:s15], [sflag:$0x2], $0x80, v12, vm0, $0xb8;
	[tilespmem:$0x10080] =	vst v63  }
0x471: {  	_ = 	snop  }
0x472: {  	[hbm4b:s20+s1] =	stream.indirect_vreg.scatter [tilespmem:s31], [sflag:$0x2], $0x80, v12, vm0, $0xb8;
	[tilespmem:$0x10080] =	vst v63  }
0x473: {  	_ = 	snop  }
0x474: {  	[hbm4b:s22+s1] =	stream.indirect_vreg.scatter [tilespmem:s17], [sflag:$0x2], $0x80, v12, vm0, $0xb8;
	[tilespmem:$0x10080] =	vst v63  }
0x475: {  	_ = 	snop  }
0x476: {  	[hbm4b:s25+s1] =	stream.indirect_vreg.scatter [tilespmem:s23], [sflag:$0x2], $0x80, v12, vm0, $0xb8;
	[tilespmem:$0x10080] =	vst v63  }
0x477: {  	_ = 	snop  }
0x478: {  	[hbm4b:s26+s1] =	stream.indirect_vreg.scatter [tilespmem:s9], [sflag:$0x2], $0x80, v12, vm0, $0xb8;
	[tilespmem:$0x10080] =	vst v63  }
0x479: {  	_ = 	snop  }
0x47a: {  	[hbm4b:s28+s1] =	stream.indirect_vreg.scatter [tilespmem:s16], [sflag:$0x2], $0x80, v12, vm0, $0xb8;
	[tilespmem:$0x10080] =	vst v63  }
0x47b: {  	_ = 	snop  }
0x47c: {  	[hbm4b:s29+s1] =	stream.indirect_vreg.scatter [tilespmem:s18], [sflag:$0x2], $0x80, v12, vm0, $0xb8;
	[tilespmem:$0x10080] =	vst v63  }
0x47d: {  	_ = 	snop  }
0x47e: {  	[hbm4b:s30+s1] =	stream.indirect_vreg.scatter [tilespmem:s21], [sflag:$0x2], $0x80, v12, vm0, $0xb8;
	[tilespmem:$0x10080] =	vst v63  }
.Ltmp1:
0x47f: {  	_ = 	snop;
	(pc) =	sbr.rel @p0 .LBB2_1-.Ltmp1, $4  }
0x480: {  	s0 =	sld [smem:$0x797];
	_ =	swait.ge [sflag:s24], $0x8000  }
0x481: {  	[sflag:s24] =	ssyncset.done $0x0  }
0x482: {  	[sflag:s24] =	ssyncadd.s32 $0xFFFF8000  }
0x483: {  	_ =	swait.ge [sflag:s24], $0x8000  }
.LBB2_2:
0x484: {  	s0 =	simm.s32 $0x2  }
0x485: {  	[sflag:s0] =	ssyncset.done $0x0  }
0x486: {  	[sflag:s0] =	ssyncadd.s32 $0xFFFF8000  }
0x487: {  	_ =	sfence.sel $0x180000  }
0x488: {  	[bflag:$0x0] =	sbarrier.arrive $0xFFFF  }
0x489: {  	_ =	strace $0x90000047  }
0x48a: {  	s31 =	stileid.u32;
	[bflag:$0x2] =	sbarrier.arrive $0xFFFF  }
0x48b: {  	p0 =	sne.s32 s31, $0x0;
	s0 =	rddreg [dreg:$0x3]  }
0x48c: {  	s0 =	sadd.s32 @!p0 $0x100000, s0  }
0x48d: {  	[sflag:s0] =	ssyncadd.tile.s32 @!p0 $0x1;
	_ =	shalt  }
.Lfunc_end2:
_tile_overlayer_lowered:
.L_overlay_start_2:
0x48e: {  	(tag) =	ssettag $0x2  }
0x48f: {  	s0 =	rddreg [dreg:$0x0];
	s2 =	stileid.u32  }
0x490: {  	s1 =	rddreg [dreg:$0x1];
	p0 =	sne.s32 s2, $0x0  }
0x491: {  	s3 =	rddreg [dreg:$0x2];
	[bflag:$0x3] =	sbarrier.arrive $0xFFFF;
	s2 =	simm.s32 @!p0 $0x1C03  }
0x492: {  	[timem:s3], [sflag:s2] =	dma.local @!p0 [hbm:s0], s1  }
0x493: {  	s0 =	simm.s32 @!p0 $0x3  }
0x494: {  	_ =	swait.ge @!p0 [sflag:s0], s1  }
0x495: {  	s1 =	ssub.s32 @!p0 $0x0, s1;
	[sflag:s0] =	ssyncset.done @!p0 $0x0  }
0x496: {  	[sflag:s0] =	ssyncadd.s32 @!p0 s1  }
0x497: {  	[bflag:$0x3] =	sbarrier.arrive $0xFFFF  }
0x498: {  	_ =	shalt  }

</sc_bundles>
